<compile_context>
chip_gen: v7x
topology: tpu7x:2x2x1
jax: 0.10.2.dev20260603
libtpu: 0.0.44.dev20260713+nightly
codegen_flags: <defaults>
</compile_context>

<pallas_src>
import functools

import jax
import jax.numpy as jnp
from jax import lax
from jax.experimental import pallas as pl
from jax.experimental.pallas import tpu as pltpu
from jax.experimental.pallas import tpu_sc as plsc

NC = 2
NS = 16
L = 16
NW = NC * NS

B = 16384
TAB = 1024
BPW = B // NW
VECS = BPW // L
TPW = TAB // NS
TVECS = TPW // L


def _softplus_floor(s):
    e = jnp.exp(-jnp.abs(s))
    u = e / (e + 2.0)
    t = u * u
    p = 1.0 / 11.0
    p = p * t + 1.0 / 9.0
    p = p * t + 1.0 / 7.0
    p = p * t + 1.0 / 5.0
    p = p * t + 1.0 / 3.0
    p = p * t + 1.0
    log1p_e = 2.0 * u * p
    sp = jnp.maximum(s, 0.0) + log1p_e
    return jnp.maximum(sp, 0.001)


@functools.partial(
    pl.kernel,
    out_type=(
        jax.ShapeDtypeStruct((B,), jnp.float32),
        jax.ShapeDtypeStruct((B,), jnp.float32),
    ),
    mesh=plsc.VectorSubcoreMesh(
        core_axis_name="c", subcore_axis_name="s", num_cores=NC, num_subcores=NS
    ),
    compiler_params=pltpu.CompilerParams(needs_layout_passes=False),
    scratch_types=[
        pltpu.VMEM((TAB,), jnp.float32),
        pltpu.VMEM((TAB,), jnp.float32),
        pltpu.VMEM((TPW,), jnp.float32),
        pltpu.VMEM((BPW,), jnp.int32),
        pltpu.VMEM((BPW,), jnp.float32),
        pltpu.VMEM((BPW,), jnp.float32),
        pltpu.VMEM_SHARED((TAB,), jnp.float32),
        pltpu.SemaphoreType.DMA,
        pltpu.SemaphoreType.DMA,
    ],
)
def _gather_softplus(loc_hbm, scale_hbm, idx_hbm, out_loc, out_scale,
                     loc_tab, scale_tab, slice_v, idx_v, oloc_v, oscale_v,
                     scale_sp, sem, sem_scale):
    sid = lax.axis_index("s")
    wid = sid * NC + lax.axis_index("c")
    base = wid * BPW
    c1 = pltpu.async_copy(idx_hbm.at[pl.ds(base, BPW)], idx_v, sem)
    c2 = pltpu.async_copy(loc_hbm, loc_tab, sem)
    c3 = pltpu.async_copy(scale_hbm, scale_tab, sem_scale)
    c3.wait()

    toff = sid * TPW
    for v in range(TVECS):
        sv = scale_tab[pl.ds(toff + v * L, L)]
        slice_v[pl.ds(v * L, L)] = _softplus_floor(sv)
    pltpu.sync_copy(slice_v, scale_sp.at[pl.ds(toff, TPW)])
    plsc.subcore_barrier()
    c4 = pltpu.async_copy(scale_sp, scale_tab, sem)
    c1.wait()
    c2.wait()
    c4.wait()

    for j in range(VECS):
        off = j * L
        idx = idx_v[pl.ds(off, L)]
        oloc_v[pl.ds(off, L)] = plsc.load_gather(loc_tab, [idx])
        oscale_v[pl.ds(off, L)] = plsc.load_gather(scale_tab, [idx])

    c5 = pltpu.async_copy(oloc_v, out_loc.at[pl.ds(base, BPW)], sem)
    c6 = pltpu.async_copy(oscale_v, out_scale.at[pl.ds(base, BPW)], sem)
    c5.wait()
    c6.wait()


def kernel(x, diag_loc, diag_scale):
    loc_t = jnp.pad(diag_loc.reshape(-1), (0, TAB - diag_loc.shape[0]))
    scale_t = jnp.pad(diag_scale.reshape(-1), (0, TAB - diag_scale.shape[0]))
    loc, scale = _gather_softplus(loc_t, scale_t, x.astype(jnp.int32))
    return loc.reshape(-1, 1), scale.reshape(-1, 1)

# --- scband reference (transcript-rebuilt; emitter-appended) ---
"""Pipeline reference for scband-cond-prior-mc-16475494548265 (READ-ONLY COPY).

The authoritative reference and input builder live on the scoring server;
editing this copy changes nothing except your own understanding.
"""

import jax, jax.numpy as jnp
import numpy as np

NUM_CLASSES = 1000
DIM = 1
BATCH = 16384

def setup_inputs(seed: int = 0) -> dict:
    key = jax.random.key(seed)
    k1, k2, k3 = jax.random.split(key, 3)
    x = jax.random.randint(k1, (BATCH,), 0, NUM_CLASSES, dtype=jnp.int64 if jax.config.jax_enable_x64 else jnp.int32).astype(jnp.int32)
    # ParameterList of per-class vectors stacked into tables [NUM_CLASSES, DIM]
    # (torch init: zeros / ones; use small random perturbation for a non-degenerate reference)
    diag_loc = jax.random.normal(k2, (NUM_CLASSES, DIM), dtype=jnp.float32) * 0.02
    diag_scale = jnp.ones((NUM_CLASSES, DIM), dtype=jnp.float32) + jax.random.normal(k3, (NUM_CLASSES, DIM), dtype=jnp.float32) * 0.02
    return {"x": x, "diag_loc": diag_loc, "diag_scale": diag_scale}

def reference(x, diag_loc, diag_scale):
    # per-row parameter lookup (embedding gather), equivalent to the python loop
    idx = x.astype(jnp.int32)
    loc = jnp.take(diag_loc, idx, axis=0)      # [B, 1]
    scale = jnp.take(diag_scale, idx, axis=0)  # [B, 1]
    loc = loc.reshape(-1, 1)
    scale = jnp.maximum(jax.nn.softplus(scale.reshape(-1, 1)), 0.001)
    return (loc, scale)

if __name__ == "__main__":
    import jax
    _d = setup_inputs()
    print(jax.jit(kernel)(*tuple(_d.values())))

</pallas_src>

<mosaic_0001>
#map = affine_map<(d0, d1) -> (0)>
module attributes {stable_mosaic.version = 14 : i64} {
  func.func @_gather_softplus(%arg0: i32, %arg1: i32, %arg2: memref<1024xf32, #tpu.memory_space<hbm>>, %arg3: memref<1024xf32, #tpu.memory_space<hbm>>, %arg4: memref<16384xi32, #tpu.memory_space<hbm>>, %arg5: memref<16384xf32, #tpu.memory_space<hbm>>, %arg6: memref<16384xf32, #tpu.memory_space<hbm>>, %arg7: memref<1024xf32, #tpu.memory_space<vmem>>, %arg8: memref<1024xf32, #tpu.memory_space<vmem>>, %arg9: memref<64xf32, #tpu.memory_space<vmem>>, %arg10: memref<512xi32, #tpu.memory_space<vmem>>, %arg11: memref<512xf32, #tpu.memory_space<vmem>>, %arg12: memref<512xf32, #tpu.memory_space<vmem>>, %arg13: memref<1024xf32, #tpu.memory_space<vmem_shared>>, %arg14: memref<!tpu.dma_semaphore, #tpu.memory_space<semaphore_mem>>, %arg15: memref<!tpu.dma_semaphore, #tpu.memory_space<semaphore_mem>>) attributes {dimension_semantics = [#tpu.dimension_semantics<core_parallel>, #tpu.dimension_semantics<subcore_parallel>], iteration_bounds = array<i64: 2, 16>, scalar_prefetch = 0 : i64, scratch_operands = 9 : i64, tpu.core_type = #tpu.core_type<sc_vector_subcore>, window_params = [{transform_indices = #map}, {transform_indices = #map}, {transform_indices = #map}, {transform_indices = #map}, {transform_indices = #map}]} {
    %mul3A = arith.constant 2 : i32
    %mul3A_0 = arith.muli %arg1, %mul3A : i32
    %add3A = arith.addi %mul3A_0, %arg0 : i32
    %mul3A_1 = arith.constant 512 : i32
    %mul3A_2 = arith.muli %add3A, %mul3A_1 : i32
    %dma_start3A = tpu.memref_slice %arg4[%mul3A_2] : memref<16384xi32, #tpu.memory_space<hbm>> -> memref<512xi32, #tpu.memory_space<hbm>>
    %dma_start3A_3 = tpu.memref_slice %arg4[%mul3A_2] : memref<16384xi32, #tpu.memory_space<hbm>> -> memref<512xi32, #tpu.memory_space<hbm>>
    tpu.enqueue_dma source(%dma_start3A_3 : memref<512xi32, #tpu.memory_space<hbm>>) target(%arg10 : memref<512xi32, #tpu.memory_space<vmem>>) target_semaphore(%arg14 : memref<!tpu.dma_semaphore, #tpu.memory_space<semaphore_mem>>)
    tpu.enqueue_dma source(%arg2 : memref<1024xf32, #tpu.memory_space<hbm>>) target(%arg7 : memref<1024xf32, #tpu.memory_space<vmem>>) target_semaphore(%arg14 : memref<!tpu.dma_semaphore, #tpu.memory_space<semaphore_mem>>)
    tpu.enqueue_dma source(%arg3 : memref<1024xf32, #tpu.memory_space<hbm>>) target(%arg8 : memref<1024xf32, #tpu.memory_space<vmem>>) target_semaphore(%arg15 : memref<!tpu.dma_semaphore, #tpu.memory_space<semaphore_mem>>)
    tpu.wait_dma2 semaphore(%arg15 : memref<!tpu.dma_semaphore, #tpu.memory_space<semaphore_mem>>) src(%arg3 : memref<1024xf32, #tpu.memory_space<hbm>>) dst(%arg8 : memref<1024xf32, #tpu.memory_space<vmem>>)
    %mul3A_4 = arith.constant 64 : i32
    %mul3A_5 = arith.muli %arg1, %mul3A_4 : i32
    %add3A_6 = arith.constant 0 : i32
    %add3A_7 = arith.addi %mul3A_5, %add3A_6 : i32
    %get3A = arith.index_cast %add3A_7 : i32 to index
    %get3A_8 = tpu.vector_load %arg8[%get3A] {strides = array<i32>} : memref<1024xf32, #tpu.memory_space<vmem>>, vector<16xf32>,
    %abs3A = math.absf %get3A_8 : vector<16xf32>
    %neg3A = arith.constant 0.000000e+00 : f32
    %neg3A_9 = vector.broadcast %neg3A : f32 to vector<16xf32>
    %neg3A_10 = arith.subf %neg3A_9, %abs3A : vector<16xf32>
    %exp3A = math.exp %neg3A_10 : vector<16xf32>
    %add3A_11 = arith.constant 2.000000e+00 : f32
    %add3A_12 = vector.broadcast %add3A_11 : f32 to vector<16xf32>
    %add3A_13 = arith.addf %exp3A, %add3A_12 : vector<16xf32>
    %div3A = arith.divf %exp3A, %add3A_13 : vector<16xf32>
    %mul3A_14 = arith.mulf %div3A, %div3A : vector<16xf32>
    %mul3A_15 = arith.constant 0.0909090936 : f32
    %mul3A_16 = vector.broadcast %mul3A_15 : f32 to vector<16xf32>
    %mul3A_17 = arith.mulf %mul3A_16, %mul3A_14 : vector<16xf32>
    %add3A_18 = arith.constant 0.111111112 : f32
    %add3A_19 = vector.broadcast %add3A_18 : f32 to vector<16xf32>
    %add3A_20 = arith.addf %mul3A_17, %add3A_19 : vector<16xf32>
    %mul3A_21 = arith.mulf %add3A_20, %mul3A_14 : vector<16xf32>
    %add3A_22 = arith.constant 0.142857149 : f32
    %add3A_23 = vector.broadcast %add3A_22 : f32 to vector<16xf32>
    %add3A_24 = arith.addf %mul3A_21, %add3A_23 : vector<16xf32>
    %mul3A_25 = arith.mulf %add3A_24, %mul3A_14 : vector<16xf32>
    %add3A_26 = arith.constant 2.000000e-01 : f32
    %add3A_27 = vector.broadcast %add3A_26 : f32 to vector<16xf32>
    %add3A_28 = arith.addf %mul3A_25, %add3A_27 : vector<16xf32>
    %mul3A_29 = arith.mulf %add3A_28, %mul3A_14 : vector<16xf32>
    %add3A_30 = arith.constant 0.333333343 : f32
    %add3A_31 = vector.broadcast %add3A_30 : f32 to vector<16xf32>
    %add3A_32 = arith.addf %mul3A_29, %add3A_31 : vector<16xf32>
    %mul3A_33 = arith.mulf %add3A_32, %mul3A_14 : vector<16xf32>
    %add3A_34 = arith.constant 1.000000e+00 : f32
    %add3A_35 = vector.broadcast %add3A_34 : f32 to vector<16xf32>
    %add3A_36 = arith.addf %mul3A_33, %add3A_35 : vector<16xf32>
    %mul3A_37 = arith.constant 2.000000e+00 : f32
    %mul3A_38 = vector.broadcast %mul3A_37 : f32 to vector<16xf32>
    %mul3A_39 = arith.mulf %mul3A_38, %div3A : vector<16xf32>
    %mul3A_40 = arith.mulf %mul3A_39, %add3A_36 : vector<16xf32>
    %max3A = arith.constant 0.000000e+00 : f32
    %max3A_41 = vector.broadcast %max3A : f32 to vector<16xf32>
    %max3A_42 = arith.maximumf %get3A_8, %max3A_41 : vector<16xf32>
    %add3A_43 = arith.addf %max3A_42, %mul3A_40 : vector<16xf32>
    %max3A_44 = arith.constant 1.000000e-03 : f32
    %max3A_45 = vector.broadcast %max3A_44 : f32 to vector<16xf32>
    %max3A_46 = arith.maximumf %add3A_43, %max3A_45 : vector<16xf32>
    %swap3A = arith.constant 0 : index
    %swap3A_47 = tpu.vector_load %arg9[%swap3A] {strides = array<i32>} : memref<64xf32, #tpu.memory_space<vmem>>, vector<16xf32>,
    tpu.vector_store %arg9[%swap3A], %max3A_46 {strides = array<i32>} : memref<64xf32, #tpu.memory_space<vmem>>, vector<16xf32>,
    %add3A_48 = arith.constant 16 : i32
    %add3A_49 = arith.addi %mul3A_5, %add3A_48 : i32
    %get3A_50 = arith.index_cast %add3A_49 : i32 to index
    %get3A_51 = tpu.vector_load %arg8[%get3A_50] {strides = array<i32>} : memref<1024xf32, #tpu.memory_space<vmem>>, vector<16xf32>,
    %abs3A_52 = math.absf %get3A_51 : vector<16xf32>
    %neg3A_53 = arith.constant 0.000000e+00 : f32
    %neg3A_54 = vector.broadcast %neg3A_53 : f32 to vector<16xf32>
    %neg3A_55 = arith.subf %neg3A_54, %abs3A_52 : vector<16xf32>
    %exp3A_56 = math.exp %neg3A_55 : vector<16xf32>
    %add3A_57 = arith.constant 2.000000e+00 : f32
    %add3A_58 = vector.broadcast %add3A_57 : f32 to vector<16xf32>
    %add3A_59 = arith.addf %exp3A_56, %add3A_58 : vector<16xf32>
    %div3A_60 = arith.divf %exp3A_56, %add3A_59 : vector<16xf32>
    %mul3A_61 = arith.mulf %div3A_60, %div3A_60 : vector<16xf32>
    %mul3A_62 = arith.constant 0.0909090936 : f32
    %mul3A_63 = vector.broadcast %mul3A_62 : f32 to vector<16xf32>
    %mul3A_64 = arith.mulf %mul3A_63, %mul3A_61 : vector<16xf32>
    %add3A_65 = arith.constant 0.111111112 : f32
    %add3A_66 = vector.broadcast %add3A_65 : f32 to vector<16xf32>
    %add3A_67 = arith.addf %mul3A_64, %add3A_66 : vector<16xf32>
    %mul3A_68 = arith.mulf %add3A_67, %mul3A_61 : vector<16xf32>
    %add3A_69 = arith.constant 0.142857149 : f32
    %add3A_70 = vector.broadcast %add3A_69 : f32 to vector<16xf32>
    %add3A_71 = arith.addf %mul3A_68, %add3A_70 : vector<16xf32>
    %mul3A_72 = arith.mulf %add3A_71, %mul3A_61 : vector<16xf32>
    %add3A_73 = arith.constant 2.000000e-01 : f32
    %add3A_74 = vector.broadcast %add3A_73 : f32 to vector<16xf32>
    %add3A_75 = arith.addf %mul3A_72, %add3A_74 : vector<16xf32>
    %mul3A_76 = arith.mulf %add3A_75, %mul3A_61 : vector<16xf32>
    %add3A_77 = arith.constant 0.333333343 : f32
    %add3A_78 = vector.broadcast %add3A_77 : f32 to vector<16xf32>
    %add3A_79 = arith.addf %mul3A_76, %add3A_78 : vector<16xf32>
    %mul3A_80 = arith.mulf %add3A_79, %mul3A_61 : vector<16xf32>
    %add3A_81 = arith.constant 1.000000e+00 : f32
    %add3A_82 = vector.broadcast %add3A_81 : f32 to vector<16xf32>
    %add3A_83 = arith.addf %mul3A_80, %add3A_82 : vector<16xf32>
    %mul3A_84 = arith.constant 2.000000e+00 : f32
    %mul3A_85 = vector.broadcast %mul3A_84 : f32 to vector<16xf32>
    %mul3A_86 = arith.mulf %mul3A_85, %div3A_60 : vector<16xf32>
    %mul3A_87 = arith.mulf %mul3A_86, %add3A_83 : vector<16xf32>
    %max3A_88 = arith.constant 0.000000e+00 : f32
    %max3A_89 = vector.broadcast %max3A_88 : f32 to vector<16xf32>
    %max3A_90 = arith.maximumf %get3A_51, %max3A_89 : vector<16xf32>
    %add3A_91 = arith.addf %max3A_90, %mul3A_87 : vector<16xf32>
    %max3A_92 = arith.constant 1.000000e-03 : f32
    %max3A_93 = vector.broadcast %max3A_92 : f32 to vector<16xf32>
    %max3A_94 = arith.maximumf %add3A_91, %max3A_93 : vector<16xf32>
    %swap3A_95 = arith.constant 16 : index
    %swap3A_96 = tpu.vector_load %arg9[%swap3A_95] {strides = array<i32>} : memref<64xf32, #tpu.memory_space<vmem>>, vector<16xf32>,
    tpu.vector_store %arg9[%swap3A_95], %max3A_94 {strides = array<i32>} : memref<64xf32, #tpu.memory_space<vmem>>, vector<16xf32>,
    %add3A_97 = arith.constant 32 : i32
    %add3A_98 = arith.addi %mul3A_5, %add3A_97 : i32
    %get3A_99 = arith.index_cast %add3A_98 : i32 to index
    %get3A_100 = tpu.vector_load %arg8[%get3A_99] {strides = array<i32>} : memref<1024xf32, #tpu.memory_space<vmem>>, vector<16xf32>,
    %abs3A_101 = math.absf %get3A_100 : vector<16xf32>
    %neg3A_102 = arith.constant 0.000000e+00 : f32
    %neg3A_103 = vector.broadcast %neg3A_102 : f32 to vector<16xf32>
    %neg3A_104 = arith.subf %neg3A_103, %abs3A_101 : vector<16xf32>
    %exp3A_105 = math.exp %neg3A_104 : vector<16xf32>
    %add3A_106 = arith.constant 2.000000e+00 : f32
    %add3A_107 = vector.broadcast %add3A_106 : f32 to vector<16xf32>
    %add3A_108 = arith.addf %exp3A_105, %add3A_107 : vector<16xf32>
    %div3A_109 = arith.divf %exp3A_105, %add3A_108 : vector<16xf32>
    %mul3A_110 = arith.mulf %div3A_109, %div3A_109 : vector<16xf32>
    %mul3A_111 = arith.constant 0.0909090936 : f32
    %mul3A_112 = vector.broadcast %mul3A_111 : f32 to vector<16xf32>
    %mul3A_113 = arith.mulf %mul3A_112, %mul3A_110 : vector<16xf32>
    %add3A_114 = arith.constant 0.111111112 : f32
    %add3A_115 = vector.broadcast %add3A_114 : f32 to vector<16xf32>
    %add3A_116 = arith.addf %mul3A_113, %add3A_115 : vector<16xf32>
    %mul3A_117 = arith.mulf %add3A_116, %mul3A_110 : vector<16xf32>
    %add3A_118 = arith.constant 0.142857149 : f32
    %add3A_119 = vector.broadcast %add3A_118 : f32 to vector<16xf32>
    %add3A_120 = arith.addf %mul3A_117, %add3A_119 : vector<16xf32>
    %mul3A_121 = arith.mulf %add3A_120, %mul3A_110 : vector<16xf32>
    %add3A_122 = arith.constant 2.000000e-01 : f32
    %add3A_123 = vector.broadcast %add3A_122 : f32 to vector<16xf32>
    %add3A_124 = arith.addf %mul3A_121, %add3A_123 : vector<16xf32>
    %mul3A_125 = arith.mulf %add3A_124, %mul3A_110 : vector<16xf32>
    %add3A_126 = arith.constant 0.333333343 : f32
    %add3A_127 = vector.broadcast %add3A_126 : f32 to vector<16xf32>
    %add3A_128 = arith.addf %mul3A_125, %add3A_127 : vector<16xf32>
    %mul3A_129 = arith.mulf %add3A_128, %mul3A_110 : vector<16xf32>
    %add3A_130 = arith.constant 1.000000e+00 : f32
    %add3A_131 = vector.broadcast %add3A_130 : f32 to vector<16xf32>
    %add3A_132 = arith.addf %mul3A_129, %add3A_131 : vector<16xf32>
    %mul3A_133 = arith.constant 2.000000e+00 : f32
    %mul3A_134 = vector.broadcast %mul3A_133 : f32 to vector<16xf32>
    %mul3A_135 = arith.mulf %mul3A_134, %div3A_109 : vector<16xf32>
    %mul3A_136 = arith.mulf %mul3A_135, %add3A_132 : vector<16xf32>
    %max3A_137 = arith.constant 0.000000e+00 : f32
    %max3A_138 = vector.broadcast %max3A_137 : f32 to vector<16xf32>
    %max3A_139 = arith.maximumf %get3A_100, %max3A_138 : vector<16xf32>
    %add3A_140 = arith.addf %max3A_139, %mul3A_136 : vector<16xf32>
    %max3A_141 = arith.constant 1.000000e-03 : f32
    %max3A_142 = vector.broadcast %max3A_141 : f32 to vector<16xf32>
    %max3A_143 = arith.maximumf %add3A_140, %max3A_142 : vector<16xf32>
    %swap3A_144 = arith.constant 32 : index
    %swap3A_145 = tpu.vector_load %arg9[%swap3A_144] {strides = array<i32>} : memref<64xf32, #tpu.memory_space<vmem>>, vector<16xf32>,
    tpu.vector_store %arg9[%swap3A_144], %max3A_143 {strides = array<i32>} : memref<64xf32, #tpu.memory_space<vmem>>, vector<16xf32>,
    %add3A_146 = arith.constant 48 : i32
    %add3A_147 = arith.addi %mul3A_5, %add3A_146 : i32
    %get3A_148 = arith.index_cast %add3A_147 : i32 to index
    %get3A_149 = tpu.vector_load %arg8[%get3A_148] {strides = array<i32>} : memref<1024xf32, #tpu.memory_space<vmem>>, vector<16xf32>,
    %abs3A_150 = math.absf %get3A_149 : vector<16xf32>
    %neg3A_151 = arith.constant 0.000000e+00 : f32
    %neg3A_152 = vector.broadcast %neg3A_151 : f32 to vector<16xf32>
    %neg3A_153 = arith.subf %neg3A_152, %abs3A_150 : vector<16xf32>
    %exp3A_154 = math.exp %neg3A_153 : vector<16xf32>
    %add3A_155 = arith.constant 2.000000e+00 : f32
    %add3A_156 = vector.broadcast %add3A_155 : f32 to vector<16xf32>
    %add3A_157 = arith.addf %exp3A_154, %add3A_156 : vector<16xf32>
    %div3A_158 = arith.divf %exp3A_154, %add3A_157 : vector<16xf32>
    %mul3A_159 = arith.mulf %div3A_158, %div3A_158 : vector<16xf32>
    %mul3A_160 = arith.constant 0.0909090936 : f32
    %mul3A_161 = vector.broadcast %mul3A_160 : f32 to vector<16xf32>
    %mul3A_162 = arith.mulf %mul3A_161, %mul3A_159 : vector<16xf32>
    %add3A_163 = arith.constant 0.111111112 : f32
    %add3A_164 = vector.broadcast %add3A_163 : f32 to vector<16xf32>
    %add3A_165 = arith.addf %mul3A_162, %add3A_164 : vector<16xf32>
    %mul3A_166 = arith.mulf %add3A_165, %mul3A_159 : vector<16xf32>
    %add3A_167 = arith.constant 0.142857149 : f32
    %add3A_168 = vector.broadcast %add3A_167 : f32 to vector<16xf32>
    %add3A_169 = arith.addf %mul3A_166, %add3A_168 : vector<16xf32>
    %mul3A_170 = arith.mulf %add3A_169, %mul3A_159 : vector<16xf32>
    %add3A_171 = arith.constant 2.000000e-01 : f32
    %add3A_172 = vector.broadcast %add3A_171 : f32 to vector<16xf32>
    %add3A_173 = arith.addf %mul3A_170, %add3A_172 : vector<16xf32>
    %mul3A_174 = arith.mulf %add3A_173, %mul3A_159 : vector<16xf32>
    %add3A_175 = arith.constant 0.333333343 : f32
    %add3A_176 = vector.broadcast %add3A_175 : f32 to vector<16xf32>
    %add3A_177 = arith.addf %mul3A_174, %add3A_176 : vector<16xf32>
    %mul3A_178 = arith.mulf %add3A_177, %mul3A_159 : vector<16xf32>
    %add3A_179 = arith.constant 1.000000e+00 : f32
    %add3A_180 = vector.broadcast %add3A_179 : f32 to vector<16xf32>
    %add3A_181 = arith.addf %mul3A_178, %add3A_180 : vector<16xf32>
    %mul3A_182 = arith.constant 2.000000e+00 : f32
    %mul3A_183 = vector.broadcast %mul3A_182 : f32 to vector<16xf32>
    %mul3A_184 = arith.mulf %mul3A_183, %div3A_158 : vector<16xf32>
    %mul3A_185 = arith.mulf %mul3A_184, %add3A_181 : vector<16xf32>
    %max3A_186 = arith.constant 0.000000e+00 : f32
    %max3A_187 = vector.broadcast %max3A_186 : f32 to vector<16xf32>
    %max3A_188 = arith.maximumf %get3A_149, %max3A_187 : vector<16xf32>
    %add3A_189 = arith.addf %max3A_188, %mul3A_185 : vector<16xf32>
    %max3A_190 = arith.constant 1.000000e-03 : f32
    %max3A_191 = vector.broadcast %max3A_190 : f32 to vector<16xf32>
    %max3A_192 = arith.maximumf %add3A_189, %max3A_191 : vector<16xf32>
    %swap3A_193 = arith.constant 48 : index
    %swap3A_194 = tpu.vector_load %arg9[%swap3A_193] {strides = array<i32>} : memref<64xf32, #tpu.memory_space<vmem>>, vector<16xf32>,
    tpu.vector_store %arg9[%swap3A_193], %max3A_192 {strides = array<i32>} : memref<64xf32, #tpu.memory_space<vmem>>, vector<16xf32>,
    "tpu.region"() ({
      %run_scoped3A = tpu.sem_alloc : memref<!tpu.dma_semaphore, #tpu.memory_space<semaphore_mem>>
      %dma_start3A_459 = tpu.memref_slice %arg13[%mul3A_5] : memref<1024xf32, #tpu.memory_space<vmem_shared>> -> memref<64xf32, #tpu.memory_space<vmem_shared>>
      %dma_start3A_460 = tpu.memref_slice %arg13[%mul3A_5] : memref<1024xf32, #tpu.memory_space<vmem_shared>> -> memref<64xf32, #tpu.memory_space<vmem_shared>>
      tpu.enqueue_dma source(%arg9 : memref<64xf32, #tpu.memory_space<vmem>>) target(%dma_start3A_460 : memref<64xf32, #tpu.memory_space<vmem_shared>>) target_semaphore(%run_scoped3A : memref<!tpu.dma_semaphore, #tpu.memory_space<semaphore_mem>>)
      %dma_wait3A_461 = tpu.memref_slice %arg13[%mul3A_5] : memref<1024xf32, #tpu.memory_space<vmem_shared>> -> memref<64xf32, #tpu.memory_space<vmem_shared>>
      %dma_wait3A_462 = tpu.memref_slice %arg13[%mul3A_5] : memref<1024xf32, #tpu.memory_space<vmem_shared>> -> memref<64xf32, #tpu.memory_space<vmem_shared>>
      tpu.wait_dma2 semaphore(%run_scoped3A : memref<!tpu.dma_semaphore, #tpu.memory_space<semaphore_mem>>) src(%arg9 : memref<64xf32, #tpu.memory_space<vmem>>) dst(%dma_wait3A_462 : memref<64xf32, #tpu.memory_space<vmem_shared>>)
      tpu.yield
    }) : () -> ()
    %barrier3A = arith.constant 0 : index
    tpu.barrier barrier_id(%barrier3A)
    tpu.enqueue_dma source(%arg13 : memref<1024xf32, #tpu.memory_space<vmem_shared>>) target(%arg8 : memref<1024xf32, #tpu.memory_space<vmem>>) target_semaphore(%arg14 : memref<!tpu.dma_semaphore, #tpu.memory_space<semaphore_mem>>)
    %dma_wait3A = tpu.memref_slice %arg4[%mul3A_2] : memref<16384xi32, #tpu.memory_space<hbm>> -> memref<512xi32, #tpu.memory_space<hbm>>
    %dma_wait3A_195 = tpu.memref_slice %arg4[%mul3A_2] : memref<16384xi32, #tpu.memory_space<hbm>> -> memref<512xi32, #tpu.memory_space<hbm>>
    tpu.wait_dma2 semaphore(%arg14 : memref<!tpu.dma_semaphore, #tpu.memory_space<semaphore_mem>>) src(%dma_wait3A_195 : memref<512xi32, #tpu.memory_space<hbm>>) dst(%arg10 : memref<512xi32, #tpu.memory_space<vmem>>)
    tpu.wait_dma2 semaphore(%arg14 : memref<!tpu.dma_semaphore, #tpu.memory_space<semaphore_mem>>) src(%arg2 : memref<1024xf32, #tpu.memory_space<hbm>>) dst(%arg7 : memref<1024xf32, #tpu.memory_space<vmem>>)
    tpu.wait_dma2 semaphore(%arg14 : memref<!tpu.dma_semaphore, #tpu.memory_space<semaphore_mem>>) src(%arg13 : memref<1024xf32, #tpu.memory_space<vmem_shared>>) dst(%arg8 : memref<1024xf32, #tpu.memory_space<vmem>>)
    %get3A_196 = arith.constant 0 : index
    %get3A_197 = tpu.vector_load %arg10[%get3A_196] {strides = array<i32>} : memref<512xi32, #tpu.memory_space<vmem>>, vector<16xi32>,
    %gather3A = tpu.vector_load_idx %arg7[%get3A_197] : memref<1024xf32, #tpu.memory_space<vmem>>[vector<16xi32>], vector<16xf32>,
    %swap3A_198 = arith.constant 0 : index
    %swap3A_199 = tpu.vector_load %arg11[%swap3A_198] {strides = array<i32>} : memref<512xf32, #tpu.memory_space<vmem>>, vector<16xf32>,
    tpu.vector_store %arg11[%swap3A_198], %gather3A {strides = array<i32>} : memref<512xf32, #tpu.memory_space<vmem>>, vector<16xf32>,
    %gather3A_200 = tpu.vector_load_idx %arg8[%get3A_197] : memref<1024xf32, #tpu.memory_space<vmem>>[vector<16xi32>], vector<16xf32>,
    %swap3A_201 = arith.constant 0 : index
    %swap3A_202 = tpu.vector_load %arg12[%swap3A_201] {strides = array<i32>} : memref<512xf32, #tpu.memory_space<vmem>>, vector<16xf32>,
    tpu.vector_store %arg12[%swap3A_201], %gather3A_200 {strides = array<i32>} : memref<512xf32, #tpu.memory_space<vmem>>, vector<16xf32>,
    %get3A_203 = arith.constant 16 : index
    %get3A_204 = tpu.vector_load %arg10[%get3A_203] {strides = array<i32>} : memref<512xi32, #tpu.memory_space<vmem>>, vector<16xi32>,
    %gather3A_205 = tpu.vector_load_idx %arg7[%get3A_204] : memref<1024xf32, #tpu.memory_space<vmem>>[vector<16xi32>], vector<16xf32>,
    %swap3A_206 = arith.constant 16 : index
    %swap3A_207 = tpu.vector_load %arg11[%swap3A_206] {strides = array<i32>} : memref<512xf32, #tpu.memory_space<vmem>>, vector<16xf32>,
    tpu.vector_store %arg11[%swap3A_206], %gather3A_205 {strides = array<i32>} : memref<512xf32, #tpu.memory_space<vmem>>, vector<16xf32>,
    %gather3A_208 = tpu.vector_load_idx %arg8[%get3A_204] : memref<1024xf32, #tpu.memory_space<vmem>>[vector<16xi32>], vector<16xf32>,
    %swap3A_209 = arith.constant 16 : index
    %swap3A_210 = tpu.vector_load %arg12[%swap3A_209] {strides = array<i32>} : memref<512xf32, #tpu.memory_space<vmem>>, vector<16xf32>,
    tpu.vector_store %arg12[%swap3A_209], %gather3A_208 {strides = array<i32>} : memref<512xf32, #tpu.memory_space<vmem>>, vector<16xf32>,
    %get3A_211 = arith.constant 32 : index
    %get3A_212 = tpu.vector_load %arg10[%get3A_211] {strides = array<i32>} : memref<512xi32, #tpu.memory_space<vmem>>, vector<16xi32>,
    %gather3A_213 = tpu.vector_load_idx %arg7[%get3A_212] : memref<1024xf32, #tpu.memory_space<vmem>>[vector<16xi32>], vector<16xf32>,
    %swap3A_214 = arith.constant 32 : index
    %swap3A_215 = tpu.vector_load %arg11[%swap3A_214] {strides = array<i32>} : memref<512xf32, #tpu.memory_space<vmem>>, vector<16xf32>,
    tpu.vector_store %arg11[%swap3A_214], %gather3A_213 {strides = array<i32>} : memref<512xf32, #tpu.memory_space<vmem>>, vector<16xf32>,
    %gather3A_216 = tpu.vector_load_idx %arg8[%get3A_212] : memref<1024xf32, #tpu.memory_space<vmem>>[vector<16xi32>], vector<16xf32>,
    %swap3A_217 = arith.constant 32 : index
    %swap3A_218 = tpu.vector_load %arg12[%swap3A_217] {strides = array<i32>} : memref<512xf32, #tpu.memory_space<vmem>>, vector<16xf32>,
    tpu.vector_store %arg12[%swap3A_217], %gather3A_216 {strides = array<i32>} : memref<512xf32, #tpu.memory_space<vmem>>, vector<16xf32>,
    %get3A_219 = arith.constant 48 : index
    %get3A_220 = tpu.vector_load %arg10[%get3A_219] {strides = array<i32>} : memref<512xi32, #tpu.memory_space<vmem>>, vector<16xi32>,
    %gather3A_221 = tpu.vector_load_idx %arg7[%get3A_220] : memref<1024xf32, #tpu.memory_space<vmem>>[vector<16xi32>], vector<16xf32>,
    %swap3A_222 = arith.constant 48 : index
    %swap3A_223 = tpu.vector_load %arg11[%swap3A_222] {strides = array<i32>} : memref<512xf32, #tpu.memory_space<vmem>>, vector<16xf32>,
    tpu.vector_store %arg11[%swap3A_222], %gather3A_221 {strides = array<i32>} : memref<512xf32, #tpu.memory_space<vmem>>, vector<16xf32>,
    %gather3A_224 = tpu.vector_load_idx %arg8[%get3A_220] : memref<1024xf32, #tpu.memory_space<vmem>>[vector<16xi32>], vector<16xf32>,
    %swap3A_225 = arith.constant 48 : index
    %swap3A_226 = tpu.vector_load %arg12[%swap3A_225] {strides = array<i32>} : memref<512xf32, #tpu.memory_space<vmem>>, vector<16xf32>,
    tpu.vector_store %arg12[%swap3A_225], %gather3A_224 {strides = array<i32>} : memref<512xf32, #tpu.memory_space<vmem>>, vector<16xf32>,
    %get3A_227 = arith.constant 64 : index
    %get3A_228 = tpu.vector_load %arg10[%get3A_227] {strides = array<i32>} : memref<512xi32, #tpu.memory_space<vmem>>, vector<16xi32>,
    %gather3A_229 = tpu.vector_load_idx %arg7[%get3A_228] : memref<1024xf32, #tpu.memory_space<vmem>>[vector<16xi32>], vector<16xf32>,
    %swap3A_230 = arith.constant 64 : index
    %swap3A_231 = tpu.vector_load %arg11[%swap3A_230] {strides = array<i32>} : memref<512xf32, #tpu.memory_space<vmem>>, vector<16xf32>,
    tpu.vector_store %arg11[%swap3A_230], %gather3A_229 {strides = array<i32>} : memref<512xf32, #tpu.memory_space<vmem>>, vector<16xf32>,
    %gather3A_232 = tpu.vector_load_idx %arg8[%get3A_228] : memref<1024xf32, #tpu.memory_space<vmem>>[vector<16xi32>], vector<16xf32>,
    %swap3A_233 = arith.constant 64 : index
    %swap3A_234 = tpu.vector_load %arg12[%swap3A_233] {strides = array<i32>} : memref<512xf32, #tpu.memory_space<vmem>>, vector<16xf32>,
    tpu.vector_store %arg12[%swap3A_233], %gather3A_232 {strides = array<i32>} : memref<512xf32, #tpu.memory_space<vmem>>, vector<16xf32>,
    %get3A_235 = arith.constant 80 : index
    %get3A_236 = tpu.vector_load %arg10[%get3A_235] {strides = array<i32>} : memref<512xi32, #tpu.memory_space<vmem>>, vector<16xi32>,
    %gather3A_237 = tpu.vector_load_idx %arg7[%get3A_236] : memref<1024xf32, #tpu.memory_space<vmem>>[vector<16xi32>], vector<16xf32>,
    %swap3A_238 = arith.constant 80 : index
    %swap3A_239 = tpu.vector_load %arg11[%swap3A_238] {strides = array<i32>} : memref<512xf32, #tpu.memory_space<vmem>>, vector<16xf32>,
    tpu.vector_store %arg11[%swap3A_238], %gather3A_237 {strides = array<i32>} : memref<512xf32, #tpu.memory_space<vmem>>, vector<16xf32>,
    %gather3A_240 = tpu.vector_load_idx %arg8[%get3A_236] : memref<1024xf32, #tpu.memory_space<vmem>>[vector<16xi32>], vector<16xf32>,
    %swap3A_241 = arith.constant 80 : index
    %swap3A_242 = tpu.vector_load %arg12[%swap3A_241] {strides = array<i32>} : memref<512xf32, #tpu.memory_space<vmem>>, vector<16xf32>,
    tpu.vector_store %arg12[%swap3A_241], %gather3A_240 {strides = array<i32>} : memref<512xf32, #tpu.memory_space<vmem>>, vector<16xf32>,
    %get3A_243 = arith.constant 96 : index
    %get3A_244 = tpu.vector_load %arg10[%get3A_243] {strides = array<i32>} : memref<512xi32, #tpu.memory_space<vmem>>, vector<16xi32>,
    %gather3A_245 = tpu.vector_load_idx %arg7[%get3A_244] : memref<1024xf32, #tpu.memory_space<vmem>>[vector<16xi32>], vector<16xf32>,
    %swap3A_246 = arith.constant 96 : index
    %swap3A_247 = tpu.vector_load %arg11[%swap3A_246] {strides = array<i32>} : memref<512xf32, #tpu.memory_space<vmem>>, vector<16xf32>,
    tpu.vector_store %arg11[%swap3A_246], %gather3A_245 {strides = array<i32>} : memref<512xf32, #tpu.memory_space<vmem>>, vector<16xf32>,
    %gather3A_248 = tpu.vector_load_idx %arg8[%get3A_244] : memref<1024xf32, #tpu.memory_space<vmem>>[vector<16xi32>], vector<16xf32>,
    %swap3A_249 = arith.constant 96 : index
    %swap3A_250 = tpu.vector_load %arg12[%swap3A_249] {strides = array<i32>} : memref<512xf32, #tpu.memory_space<vmem>>, vector<16xf32>,
    tpu.vector_store %arg12[%swap3A_249], %gather3A_248 {strides = array<i32>} : memref<512xf32, #tpu.memory_space<vmem>>, vector<16xf32>,
    %get3A_251 = arith.constant 112 : index
    %get3A_252 = tpu.vector_load %arg10[%get3A_251] {strides = array<i32>} : memref<512xi32, #tpu.memory_space<vmem>>, vector<16xi32>,
    %gather3A_253 = tpu.vector_load_idx %arg7[%get3A_252] : memref<1024xf32, #tpu.memory_space<vmem>>[vector<16xi32>], vector<16xf32>,
    %swap3A_254 = arith.constant 112 : index
    %swap3A_255 = tpu.vector_load %arg11[%swap3A_254] {strides = array<i32>} : memref<512xf32, #tpu.memory_space<vmem>>, vector<16xf32>,
    tpu.vector_store %arg11[%swap3A_254], %gather3A_253 {strides = array<i32>} : memref<512xf32, #tpu.memory_space<vmem>>, vector<16xf32>,
    %gather3A_256 = tpu.vector_load_idx %arg8[%get3A_252] : memref<1024xf32, #tpu.memory_space<vmem>>[vector<16xi32>], vector<16xf32>,
    %swap3A_257 = arith.constant 112 : index
    %swap3A_258 = tpu.vector_load %arg12[%swap3A_257] {strides = array<i32>} : memref<512xf32, #tpu.memory_space<vmem>>, vector<16xf32>,
    tpu.vector_store %arg12[%swap3A_257], %gather3A_256 {strides = array<i32>} : memref<512xf32, #tpu.memory_space<vmem>>, vector<16xf32>,
    %get3A_259 = arith.constant 128 : index
    %get3A_260 = tpu.vector_load %arg10[%get3A_259] {strides = array<i32>} : memref<512xi32, #tpu.memory_space<vmem>>, vector<16xi32>,
    %gather3A_261 = tpu.vector_load_idx %arg7[%get3A_260] : memref<1024xf32, #tpu.memory_space<vmem>>[vector<16xi32>], vector<16xf32>,
    %swap3A_262 = arith.constant 128 : index
    %swap3A_263 = tpu.vector_load %arg11[%swap3A_262] {strides = array<i32>} : memref<512xf32, #tpu.memory_space<vmem>>, vector<16xf32>,
    tpu.vector_store %arg11[%swap3A_262], %gather3A_261 {strides = array<i32>} : memref<512xf32, #tpu.memory_space<vmem>>, vector<16xf32>,
    %gather3A_264 = tpu.vector_load_idx %arg8[%get3A_260] : memref<1024xf32, #tpu.memory_space<vmem>>[vector<16xi32>], vector<16xf32>,
    %swap3A_265 = arith.constant 128 : index
    %swap3A_266 = tpu.vector_load %arg12[%swap3A_265] {strides = array<i32>} : memref<512xf32, #tpu.memory_space<vmem>>, vector<16xf32>,
    tpu.vector_store %arg12[%swap3A_265], %gather3A_264 {strides = array<i32>} : memref<512xf32, #tpu.memory_space<vmem>>, vector<16xf32>,
    %get3A_267 = arith.constant 144 : index
    %get3A_268 = tpu.vector_load %arg10[%get3A_267] {strides = array<i32>} : memref<512xi32, #tpu.memory_space<vmem>>, vector<16xi32>,
    %gather3A_269 = tpu.vector_load_idx %arg7[%get3A_268] : memref<1024xf32, #tpu.memory_space<vmem>>[vector<16xi32>], vector<16xf32>,
    %swap3A_270 = arith.constant 144 : index
    %swap3A_271 = tpu.vector_load %arg11[%swap3A_270] {strides = array<i32>} : memref<512xf32, #tpu.memory_space<vmem>>, vector<16xf32>,
    tpu.vector_store %arg11[%swap3A_270], %gather3A_269 {strides = array<i32>} : memref<512xf32, #tpu.memory_space<vmem>>, vector<16xf32>,
    %gather3A_272 = tpu.vector_load_idx %arg8[%get3A_268] : memref<1024xf32, #tpu.memory_space<vmem>>[vector<16xi32>], vector<16xf32>,
    %swap3A_273 = arith.constant 144 : index
    %swap3A_274 = tpu.vector_load %arg12[%swap3A_273] {strides = array<i32>} : memref<512xf32, #tpu.memory_space<vmem>>, vector<16xf32>,
    tpu.vector_store %arg12[%swap3A_273], %gather3A_272 {strides = array<i32>} : memref<512xf32, #tpu.memory_space<vmem>>, vector<16xf32>,
    %get3A_275 = arith.constant 160 : index
    %get3A_276 = tpu.vector_load %arg10[%get3A_275] {strides = array<i32>} : memref<512xi32, #tpu.memory_space<vmem>>, vector<16xi32>,
    %gather3A_277 = tpu.vector_load_idx %arg7[%get3A_276] : memref<1024xf32, #tpu.memory_space<vmem>>[vector<16xi32>], vector<16xf32>,
    %swap3A_278 = arith.constant 160 : index
    %swap3A_279 = tpu.vector_load %arg11[%swap3A_278] {strides = array<i32>} : memref<512xf32, #tpu.memory_space<vmem>>, vector<16xf32>,
    tpu.vector_store %arg11[%swap3A_278], %gather3A_277 {strides = array<i32>} : memref<512xf32, #tpu.memory_space<vmem>>, vector<16xf32>,
    %gather3A_280 = tpu.vector_load_idx %arg8[%get3A_276] : memref<1024xf32, #tpu.memory_space<vmem>>[vector<16xi32>], vector<16xf32>,
    %swap3A_281 = arith.constant 160 : index
    %swap3A_282 = tpu.vector_load %arg12[%swap3A_281] {strides = array<i32>} : memref<512xf32, #tpu.memory_space<vmem>>, vector<16xf32>,
    tpu.vector_store %arg12[%swap3A_281], %gather3A_280 {strides = array<i32>} : memref<512xf32, #tpu.memory_space<vmem>>, vector<16xf32>,
    %get3A_283 = arith.constant 176 : index
    %get3A_284 = tpu.vector_load %arg10[%get3A_283] {strides = array<i32>} : memref<512xi32, #tpu.memory_space<vmem>>, vector<16xi32>,
    %gather3A_285 = tpu.vector_load_idx %arg7[%get3A_284] : memref<1024xf32, #tpu.memory_space<vmem>>[vector<16xi32>], vector<16xf32>,
    %swap3A_286 = arith.constant 176 : index
    %swap3A_287 = tpu.vector_load %arg11[%swap3A_286] {strides = array<i32>} : memref<512xf32, #tpu.memory_space<vmem>>, vector<16xf32>,
    tpu.vector_store %arg11[%swap3A_286], %gather3A_285 {strides = array<i32>} : memref<512xf32, #tpu.memory_space<vmem>>, vector<16xf32>,
    %gather3A_288 = tpu.vector_load_idx %arg8[%get3A_284] : memref<1024xf32, #tpu.memory_space<vmem>>[vector<16xi32>], vector<16xf32>,
    %swap3A_289 = arith.constant 176 : index
    %swap3A_290 = tpu.vector_load %arg12[%swap3A_289] {strides = array<i32>} : memref<512xf32, #tpu.memory_space<vmem>>, vector<16xf32>,
    tpu.vector_store %arg12[%swap3A_289], %gather3A_288 {strides = array<i32>} : memref<512xf32, #tpu.memory_space<vmem>>, vector<16xf32>,
    %get3A_291 = arith.constant 192 : index
    %get3A_292 = tpu.vector_load %arg10[%get3A_291] {strides = array<i32>} : memref<512xi32, #tpu.memory_space<vmem>>, vector<16xi32>,
    %gather3A_293 = tpu.vector_load_idx %arg7[%get3A_292] : memref<1024xf32, #tpu.memory_space<vmem>>[vector<16xi32>], vector<16xf32>,
    %swap3A_294 = arith.constant 192 : index
    %swap3A_295 = tpu.vector_load %arg11[%swap3A_294] {strides = array<i32>} : memref<512xf32, #tpu.memory_space<vmem>>, vector<16xf32>,
    tpu.vector_store %arg11[%swap3A_294], %gather3A_293 {strides = array<i32>} : memref<512xf32, #tpu.memory_space<vmem>>, vector<16xf32>,
    %gather3A_296 = tpu.vector_load_idx %arg8[%get3A_292] : memref<1024xf32, #tpu.memory_space<vmem>>[vector<16xi32>], vector<16xf32>,
    %swap3A_297 = arith.constant 192 : index
    %swap3A_298 = tpu.vector_load %arg12[%swap3A_297] {strides = array<i32>} : memref<512xf32, #tpu.memory_space<vmem>>, vector<16xf32>,
    tpu.vector_store %arg12[%swap3A_297], %gather3A_296 {strides = array<i32>} : memref<512xf32, #tpu.memory_space<vmem>>, vector<16xf32>,
    %get3A_299 = arith.constant 208 : index
    %get3A_300 = tpu.vector_load %arg10[%get3A_299] {strides = array<i32>} : memref<512xi32, #tpu.memory_space<vmem>>, vector<16xi32>,
    %gather3A_301 = tpu.vector_load_idx %arg7[%get3A_300] : memref<1024xf32, #tpu.memory_space<vmem>>[vector<16xi32>], vector<16xf32>,
    %swap3A_302 = arith.constant 208 : index
    %swap3A_303 = tpu.vector_load %arg11[%swap3A_302] {strides = array<i32>} : memref<512xf32, #tpu.memory_space<vmem>>, vector<16xf32>,
    tpu.vector_store %arg11[%swap3A_302], %gather3A_301 {strides = array<i32>} : memref<512xf32, #tpu.memory_space<vmem>>, vector<16xf32>,
    %gather3A_304 = tpu.vector_load_idx %arg8[%get3A_300] : memref<1024xf32, #tpu.memory_space<vmem>>[vector<16xi32>], vector<16xf32>,
    %swap3A_305 = arith.constant 208 : index
    %swap3A_306 = tpu.vector_load %arg12[%swap3A_305] {strides = array<i32>} : memref<512xf32, #tpu.memory_space<vmem>>, vector<16xf32>,
    tpu.vector_store %arg12[%swap3A_305], %gather3A_304 {strides = array<i32>} : memref<512xf32, #tpu.memory_space<vmem>>, vector<16xf32>,
    %get3A_307 = arith.constant 224 : index
    %get3A_308 = tpu.vector_load %arg10[%get3A_307] {strides = array<i32>} : memref<512xi32, #tpu.memory_space<vmem>>, vector<16xi32>,
    %gather3A_309 = tpu.vector_load_idx %arg7[%get3A_308] : memref<1024xf32, #tpu.memory_space<vmem>>[vector<16xi32>], vector<16xf32>,
    %swap3A_310 = arith.constant 224 : index
    %swap3A_311 = tpu.vector_load %arg11[%swap3A_310] {strides = array<i32>} : memref<512xf32, #tpu.memory_space<vmem>>, vector<16xf32>,
    tpu.vector_store %arg11[%swap3A_310], %gather3A_309 {strides = array<i32>} : memref<512xf32, #tpu.memory_space<vmem>>, vector<16xf32>,
    %gather3A_312 = tpu.vector_load_idx %arg8[%get3A_308] : memref<1024xf32, #tpu.memory_space<vmem>>[vector<16xi32>], vector<16xf32>,
    %swap3A_313 = arith.constant 224 : index
    %swap3A_314 = tpu.vector_load %arg12[%swap3A_313] {strides = array<i32>} : memref<512xf32, #tpu.memory_space<vmem>>, vector<16xf32>,
    tpu.vector_store %arg12[%swap3A_313], %gather3A_312 {strides = array<i32>} : memref<512xf32, #tpu.memory_space<vmem>>, vector<16xf32>,
    %get3A_315 = arith.constant 240 : index
    %get3A_316 = tpu.vector_load %arg10[%get3A_315] {strides = array<i32>} : memref<512xi32, #tpu.memory_space<vmem>>, vector<16xi32>,
    %gather3A_317 = tpu.vector_load_idx %arg7[%get3A_316] : memref<1024xf32, #tpu.memory_space<vmem>>[vector<16xi32>], vector<16xf32>,
    %swap3A_318 = arith.constant 240 : index
    %swap3A_319 = tpu.vector_load %arg11[%swap3A_318] {strides = array<i32>} : memref<512xf32, #tpu.memory_space<vmem>>, vector<16xf32>,
    tpu.vector_store %arg11[%swap3A_318], %gather3A_317 {strides = array<i32>} : memref<512xf32, #tpu.memory_space<vmem>>, vector<16xf32>,
    %gather3A_320 = tpu.vector_load_idx %arg8[%get3A_316] : memref<1024xf32, #tpu.memory_space<vmem>>[vector<16xi32>], vector<16xf32>,
    %swap3A_321 = arith.constant 240 : index
    %swap3A_322 = tpu.vector_load %arg12[%swap3A_321] {strides = array<i32>} : memref<512xf32, #tpu.memory_space<vmem>>, vector<16xf32>,
    tpu.vector_store %arg12[%swap3A_321], %gather3A_320 {strides = array<i32>} : memref<512xf32, #tpu.memory_space<vmem>>, vector<16xf32>,
    %get3A_323 = arith.constant 256 : index
    %get3A_324 = tpu.vector_load %arg10[%get3A_323] {strides = array<i32>} : memref<512xi32, #tpu.memory_space<vmem>>, vector<16xi32>,
    %gather3A_325 = tpu.vector_load_idx %arg7[%get3A_324] : memref<1024xf32, #tpu.memory_space<vmem>>[vector<16xi32>], vector<16xf32>,
    %swap3A_326 = arith.constant 256 : index
    %swap3A_327 = tpu.vector_load %arg11[%swap3A_326] {strides = array<i32>} : memref<512xf32, #tpu.memory_space<vmem>>, vector<16xf32>,
    tpu.vector_store %arg11[%swap3A_326], %gather3A_325 {strides = array<i32>} : memref<512xf32, #tpu.memory_space<vmem>>, vector<16xf32>,
    %gather3A_328 = tpu.vector_load_idx %arg8[%get3A_324] : memref<1024xf32, #tpu.memory_space<vmem>>[vector<16xi32>], vector<16xf32>,
    %swap3A_329 = arith.constant 256 : index
    %swap3A_330 = tpu.vector_load %arg12[%swap3A_329] {strides = array<i32>} : memref<512xf32, #tpu.memory_space<vmem>>, vector<16xf32>,
    tpu.vector_store %arg12[%swap3A_329], %gather3A_328 {strides = array<i32>} : memref<512xf32, #tpu.memory_space<vmem>>, vector<16xf32>,
    %get3A_331 = arith.constant 272 : index
    %get3A_332 = tpu.vector_load %arg10[%get3A_331] {strides = array<i32>} : memref<512xi32, #tpu.memory_space<vmem>>, vector<16xi32>,
    %gather3A_333 = tpu.vector_load_idx %arg7[%get3A_332] : memref<1024xf32, #tpu.memory_space<vmem>>[vector<16xi32>], vector<16xf32>,
    %swap3A_334 = arith.constant 272 : index
    %swap3A_335 = tpu.vector_load %arg11[%swap3A_334] {strides = array<i32>} : memref<512xf32, #tpu.memory_space<vmem>>, vector<16xf32>,
    tpu.vector_store %arg11[%swap3A_334], %gather3A_333 {strides = array<i32>} : memref<512xf32, #tpu.memory_space<vmem>>, vector<16xf32>,
    %gather3A_336 = tpu.vector_load_idx %arg8[%get3A_332] : memref<1024xf32, #tpu.memory_space<vmem>>[vector<16xi32>], vector<16xf32>,
    %swap3A_337 = arith.constant 272 : index
    %swap3A_338 = tpu.vector_load %arg12[%swap3A_337] {strides = array<i32>} : memref<512xf32, #tpu.memory_space<vmem>>, vector<16xf32>,
    tpu.vector_store %arg12[%swap3A_337], %gather3A_336 {strides = array<i32>} : memref<512xf32, #tpu.memory_space<vmem>>, vector<16xf32>,
    %get3A_339 = arith.constant 288 : index
    %get3A_340 = tpu.vector_load %arg10[%get3A_339] {strides = array<i32>} : memref<512xi32, #tpu.memory_space<vmem>>, vector<16xi32>,
    %gather3A_341 = tpu.vector_load_idx %arg7[%get3A_340] : memref<1024xf32, #tpu.memory_space<vmem>>[vector<16xi32>], vector<16xf32>,
    %swap3A_342 = arith.constant 288 : index
    %swap3A_343 = tpu.vector_load %arg11[%swap3A_342] {strides = array<i32>} : memref<512xf32, #tpu.memory_space<vmem>>, vector<16xf32>,
    tpu.vector_store %arg11[%swap3A_342], %gather3A_341 {strides = array<i32>} : memref<512xf32, #tpu.memory_space<vmem>>, vector<16xf32>,
    %gather3A_344 = tpu.vector_load_idx %arg8[%get3A_340] : memref<1024xf32, #tpu.memory_space<vmem>>[vector<16xi32>], vector<16xf32>,
    %swap3A_345 = arith.constant 288 : index
    %swap3A_346 = tpu.vector_load %arg12[%swap3A_345] {strides = array<i32>} : memref<512xf32, #tpu.memory_space<vmem>>, vector<16xf32>,
    tpu.vector_store %arg12[%swap3A_345], %gather3A_344 {strides = array<i32>} : memref<512xf32, #tpu.memory_space<vmem>>, vector<16xf32>,
    %get3A_347 = arith.constant 304 : index
    %get3A_348 = tpu.vector_load %arg10[%get3A_347] {strides = array<i32>} : memref<512xi32, #tpu.memory_space<vmem>>, vector<16xi32>,
    %gather3A_349 = tpu.vector_load_idx %arg7[%get3A_348] : memref<1024xf32, #tpu.memory_space<vmem>>[vector<16xi32>], vector<16xf32>,
    %swap3A_350 = arith.constant 304 : index
    %swap3A_351 = tpu.vector_load %arg11[%swap3A_350] {strides = array<i32>} : memref<512xf32, #tpu.memory_space<vmem>>, vector<16xf32>,
    tpu.vector_store %arg11[%swap3A_350], %gather3A_349 {strides = array<i32>} : memref<512xf32, #tpu.memory_space<vmem>>, vector<16xf32>,
    %gather3A_352 = tpu.vector_load_idx %arg8[%get3A_348] : memref<1024xf32, #tpu.memory_space<vmem>>[vector<16xi32>], vector<16xf32>,
    %swap3A_353 = arith.constant 304 : index
    %swap3A_354 = tpu.vector_load %arg12[%swap3A_353] {strides = array<i32>} : memref<512xf32, #tpu.memory_space<vmem>>, vector<16xf32>,
    tpu.vector_store %arg12[%swap3A_353], %gather3A_352 {strides = array<i32>} : memref<512xf32, #tpu.memory_space<vmem>>, vector<16xf32>,
    %get3A_355 = arith.constant 320 : index
    %get3A_356 = tpu.vector_load %arg10[%get3A_355] {strides = array<i32>} : memref<512xi32, #tpu.memory_space<vmem>>, vector<16xi32>,
    %gather3A_357 = tpu.vector_load_idx %arg7[%get3A_356] : memref<1024xf32, #tpu.memory_space<vmem>>[vector<16xi32>], vector<16xf32>,
    %swap3A_358 = arith.constant 320 : index
    %swap3A_359 = tpu.vector_load %arg11[%swap3A_358] {strides = array<i32>} : memref<512xf32, #tpu.memory_space<vmem>>, vector<16xf32>,
    tpu.vector_store %arg11[%swap3A_358], %gather3A_357 {strides = array<i32>} : memref<512xf32, #tpu.memory_space<vmem>>, vector<16xf32>,
    %gather3A_360 = tpu.vector_load_idx %arg8[%get3A_356] : memref<1024xf32, #tpu.memory_space<vmem>>[vector<16xi32>], vector<16xf32>,
    %swap3A_361 = arith.constant 320 : index
    %swap3A_362 = tpu.vector_load %arg12[%swap3A_361] {strides = array<i32>} : memref<512xf32, #tpu.memory_space<vmem>>, vector<16xf32>,
    tpu.vector_store %arg12[%swap3A_361], %gather3A_360 {strides = array<i32>} : memref<512xf32, #tpu.memory_space<vmem>>, vector<16xf32>,
    %get3A_363 = arith.constant 336 : index
    %get3A_364 = tpu.vector_load %arg10[%get3A_363] {strides = array<i32>} : memref<512xi32, #tpu.memory_space<vmem>>, vector<16xi32>,
    %gather3A_365 = tpu.vector_load_idx %arg7[%get3A_364] : memref<1024xf32, #tpu.memory_space<vmem>>[vector<16xi32>], vector<16xf32>,
    %swap3A_366 = arith.constant 336 : index
    %swap3A_367 = tpu.vector_load %arg11[%swap3A_366] {strides = array<i32>} : memref<512xf32, #tpu.memory_space<vmem>>, vector<16xf32>,
    tpu.vector_store %arg11[%swap3A_366], %gather3A_365 {strides = array<i32>} : memref<512xf32, #tpu.memory_space<vmem>>, vector<16xf32>,
    %gather3A_368 = tpu.vector_load_idx %arg8[%get3A_364] : memref<1024xf32, #tpu.memory_space<vmem>>[vector<16xi32>], vector<16xf32>,
    %swap3A_369 = arith.constant 336 : index
    %swap3A_370 = tpu.vector_load %arg12[%swap3A_369] {strides = array<i32>} : memref<512xf32, #tpu.memory_space<vmem>>, vector<16xf32>,
    tpu.vector_store %arg12[%swap3A_369], %gather3A_368 {strides = array<i32>} : memref<512xf32, #tpu.memory_space<vmem>>, vector<16xf32>,
    %get3A_371 = arith.constant 352 : index
    %get3A_372 = tpu.vector_load %arg10[%get3A_371] {strides = array<i32>} : memref<512xi32, #tpu.memory_space<vmem>>, vector<16xi32>,
    %gather3A_373 = tpu.vector_load_idx %arg7[%get3A_372] : memref<1024xf32, #tpu.memory_space<vmem>>[vector<16xi32>], vector<16xf32>,
    %swap3A_374 = arith.constant 352 : index
    %swap3A_375 = tpu.vector_load %arg11[%swap3A_374] {strides = array<i32>} : memref<512xf32, #tpu.memory_space<vmem>>, vector<16xf32>,
    tpu.vector_store %arg11[%swap3A_374], %gather3A_373 {strides = array<i32>} : memref<512xf32, #tpu.memory_space<vmem>>, vector<16xf32>,
    %gather3A_376 = tpu.vector_load_idx %arg8[%get3A_372] : memref<1024xf32, #tpu.memory_space<vmem>>[vector<16xi32>], vector<16xf32>,
    %swap3A_377 = arith.constant 352 : index
    %swap3A_378 = tpu.vector_load %arg12[%swap3A_377] {strides = array<i32>} : memref<512xf32, #tpu.memory_space<vmem>>, vector<16xf32>,
    tpu.vector_store %arg12[%swap3A_377], %gather3A_376 {strides = array<i32>} : memref<512xf32, #tpu.memory_space<vmem>>, vector<16xf32>,
    %get3A_379 = arith.constant 368 : index
    %get3A_380 = tpu.vector_load %arg10[%get3A_379] {strides = array<i32>} : memref<512xi32, #tpu.memory_space<vmem>>, vector<16xi32>,
    %gather3A_381 = tpu.vector_load_idx %arg7[%get3A_380] : memref<1024xf32, #tpu.memory_space<vmem>>[vector<16xi32>], vector<16xf32>,
    %swap3A_382 = arith.constant 368 : index
    %swap3A_383 = tpu.vector_load %arg11[%swap3A_382] {strides = array<i32>} : memref<512xf32, #tpu.memory_space<vmem>>, vector<16xf32>,
    tpu.vector_store %arg11[%swap3A_382], %gather3A_381 {strides = array<i32>} : memref<512xf32, #tpu.memory_space<vmem>>, vector<16xf32>,
    %gather3A_384 = tpu.vector_load_idx %arg8[%get3A_380] : memref<1024xf32, #tpu.memory_space<vmem>>[vector<16xi32>], vector<16xf32>,
    %swap3A_385 = arith.constant 368 : index
    %swap3A_386 = tpu.vector_load %arg12[%swap3A_385] {strides = array<i32>} : memref<512xf32, #tpu.memory_space<vmem>>, vector<16xf32>,
    tpu.vector_store %arg12[%swap3A_385], %gather3A_384 {strides = array<i32>} : memref<512xf32, #tpu.memory_space<vmem>>, vector<16xf32>,
    %get3A_387 = arith.constant 384 : index
    %get3A_388 = tpu.vector_load %arg10[%get3A_387] {strides = array<i32>} : memref<512xi32, #tpu.memory_space<vmem>>, vector<16xi32>,
    %gather3A_389 = tpu.vector_load_idx %arg7[%get3A_388] : memref<1024xf32, #tpu.memory_space<vmem>>[vector<16xi32>], vector<16xf32>,
    %swap3A_390 = arith.constant 384 : index
    %swap3A_391 = tpu.vector_load %arg11[%swap3A_390] {strides = array<i32>} : memref<512xf32, #tpu.memory_space<vmem>>, vector<16xf32>,
    tpu.vector_store %arg11[%swap3A_390], %gather3A_389 {strides = array<i32>} : memref<512xf32, #tpu.memory_space<vmem>>, vector<16xf32>,
    %gather3A_392 = tpu.vector_load_idx %arg8[%get3A_388] : memref<1024xf32, #tpu.memory_space<vmem>>[vector<16xi32>], vector<16xf32>,
    %swap3A_393 = arith.constant 384 : index
    %swap3A_394 = tpu.vector_load %arg12[%swap3A_393] {strides = array<i32>} : memref<512xf32, #tpu.memory_space<vmem>>, vector<16xf32>,
    tpu.vector_store %arg12[%swap3A_393], %gather3A_392 {strides = array<i32>} : memref<512xf32, #tpu.memory_space<vmem>>, vector<16xf32>,
    %get3A_395 = arith.constant 400 : index
    %get3A_396 = tpu.vector_load %arg10[%get3A_395] {strides = array<i32>} : memref<512xi32, #tpu.memory_space<vmem>>, vector<16xi32>,
    %gather3A_397 = tpu.vector_load_idx %arg7[%get3A_396] : memref<1024xf32, #tpu.memory_space<vmem>>[vector<16xi32>], vector<16xf32>,
    %swap3A_398 = arith.constant 400 : index
    %swap3A_399 = tpu.vector_load %arg11[%swap3A_398] {strides = array<i32>} : memref<512xf32, #tpu.memory_space<vmem>>, vector<16xf32>,
    tpu.vector_store %arg11[%swap3A_398], %gather3A_397 {strides = array<i32>} : memref<512xf32, #tpu.memory_space<vmem>>, vector<16xf32>,
    %gather3A_400 = tpu.vector_load_idx %arg8[%get3A_396] : memref<1024xf32, #tpu.memory_space<vmem>>[vector<16xi32>], vector<16xf32>,
    %swap3A_401 = arith.constant 400 : index
    %swap3A_402 = tpu.vector_load %arg12[%swap3A_401] {strides = array<i32>} : memref<512xf32, #tpu.memory_space<vmem>>, vector<16xf32>,
    tpu.vector_store %arg12[%swap3A_401], %gather3A_400 {strides = array<i32>} : memref<512xf32, #tpu.memory_space<vmem>>, vector<16xf32>,
    %get3A_403 = arith.constant 416 : index
    %get3A_404 = tpu.vector_load %arg10[%get3A_403] {strides = array<i32>} : memref<512xi32, #tpu.memory_space<vmem>>, vector<16xi32>,
    %gather3A_405 = tpu.vector_load_idx %arg7[%get3A_404] : memref<1024xf32, #tpu.memory_space<vmem>>[vector<16xi32>], vector<16xf32>,
    %swap3A_406 = arith.constant 416 : index
    %swap3A_407 = tpu.vector_load %arg11[%swap3A_406] {strides = array<i32>} : memref<512xf32, #tpu.memory_space<vmem>>, vector<16xf32>,
    tpu.vector_store %arg11[%swap3A_406], %gather3A_405 {strides = array<i32>} : memref<512xf32, #tpu.memory_space<vmem>>, vector<16xf32>,
    %gather3A_408 = tpu.vector_load_idx %arg8[%get3A_404] : memref<1024xf32, #tpu.memory_space<vmem>>[vector<16xi32>], vector<16xf32>,
    %swap3A_409 = arith.constant 416 : index
    %swap3A_410 = tpu.vector_load %arg12[%swap3A_409] {strides = array<i32>} : memref<512xf32, #tpu.memory_space<vmem>>, vector<16xf32>,
    tpu.vector_store %arg12[%swap3A_409], %gather3A_408 {strides = array<i32>} : memref<512xf32, #tpu.memory_space<vmem>>, vector<16xf32>,
    %get3A_411 = arith.constant 432 : index
    %get3A_412 = tpu.vector_load %arg10[%get3A_411] {strides = array<i32>} : memref<512xi32, #tpu.memory_space<vmem>>, vector<16xi32>,
    %gather3A_413 = tpu.vector_load_idx %arg7[%get3A_412] : memref<1024xf32, #tpu.memory_space<vmem>>[vector<16xi32>], vector<16xf32>,
    %swap3A_414 = arith.constant 432 : index
    %swap3A_415 = tpu.vector_load %arg11[%swap3A_414] {strides = array<i32>} : memref<512xf32, #tpu.memory_space<vmem>>, vector<16xf32>,
    tpu.vector_store %arg11[%swap3A_414], %gather3A_413 {strides = array<i32>} : memref<512xf32, #tpu.memory_space<vmem>>, vector<16xf32>,
    %gather3A_416 = tpu.vector_load_idx %arg8[%get3A_412] : memref<1024xf32, #tpu.memory_space<vmem>>[vector<16xi32>], vector<16xf32>,
    %swap3A_417 = arith.constant 432 : index
    %swap3A_418 = tpu.vector_load %arg12[%swap3A_417] {strides = array<i32>} : memref<512xf32, #tpu.memory_space<vmem>>, vector<16xf32>,
    tpu.vector_store %arg12[%swap3A_417], %gather3A_416 {strides = array<i32>} : memref<512xf32, #tpu.memory_space<vmem>>, vector<16xf32>,
    %get3A_419 = arith.constant 448 : index
    %get3A_420 = tpu.vector_load %arg10[%get3A_419] {strides = array<i32>} : memref<512xi32, #tpu.memory_space<vmem>>, vector<16xi32>,
    %gather3A_421 = tpu.vector_load_idx %arg7[%get3A_420] : memref<1024xf32, #tpu.memory_space<vmem>>[vector<16xi32>], vector<16xf32>,
    %swap3A_422 = arith.constant 448 : index
    %swap3A_423 = tpu.vector_load %arg11[%swap3A_422] {strides = array<i32>} : memref<512xf32, #tpu.memory_space<vmem>>, vector<16xf32>,
    tpu.vector_store %arg11[%swap3A_422], %gather3A_421 {strides = array<i32>} : memref<512xf32, #tpu.memory_space<vmem>>, vector<16xf32>,
    %gather3A_424 = tpu.vector_load_idx %arg8[%get3A_420] : memref<1024xf32, #tpu.memory_space<vmem>>[vector<16xi32>], vector<16xf32>,
    %swap3A_425 = arith.constant 448 : index
    %swap3A_426 = tpu.vector_load %arg12[%swap3A_425] {strides = array<i32>} : memref<512xf32, #tpu.memory_space<vmem>>, vector<16xf32>,
    tpu.vector_store %arg12[%swap3A_425], %gather3A_424 {strides = array<i32>} : memref<512xf32, #tpu.memory_space<vmem>>, vector<16xf32>,
    %get3A_427 = arith.constant 464 : index
    %get3A_428 = tpu.vector_load %arg10[%get3A_427] {strides = array<i32>} : memref<512xi32, #tpu.memory_space<vmem>>, vector<16xi32>,
    %gather3A_429 = tpu.vector_load_idx %arg7[%get3A_428] : memref<1024xf32, #tpu.memory_space<vmem>>[vector<16xi32>], vector<16xf32>,
    %swap3A_430 = arith.constant 464 : index
    %swap3A_431 = tpu.vector_load %arg11[%swap3A_430] {strides = array<i32>} : memref<512xf32, #tpu.memory_space<vmem>>, vector<16xf32>,
    tpu.vector_store %arg11[%swap3A_430], %gather3A_429 {strides = array<i32>} : memref<512xf32, #tpu.memory_space<vmem>>, vector<16xf32>,
    %gather3A_432 = tpu.vector_load_idx %arg8[%get3A_428] : memref<1024xf32, #tpu.memory_space<vmem>>[vector<16xi32>], vector<16xf32>,
    %swap3A_433 = arith.constant 464 : index
    %swap3A_434 = tpu.vector_load %arg12[%swap3A_433] {strides = array<i32>} : memref<512xf32, #tpu.memory_space<vmem>>, vector<16xf32>,
    tpu.vector_store %arg12[%swap3A_433], %gather3A_432 {strides = array<i32>} : memref<512xf32, #tpu.memory_space<vmem>>, vector<16xf32>,
    %get3A_435 = arith.constant 480 : index
    %get3A_436 = tpu.vector_load %arg10[%get3A_435] {strides = array<i32>} : memref<512xi32, #tpu.memory_space<vmem>>, vector<16xi32>,
    %gather3A_437 = tpu.vector_load_idx %arg7[%get3A_436] : memref<1024xf32, #tpu.memory_space<vmem>>[vector<16xi32>], vector<16xf32>,
    %swap3A_438 = arith.constant 480 : index
    %swap3A_439 = tpu.vector_load %arg11[%swap3A_438] {strides = array<i32>} : memref<512xf32, #tpu.memory_space<vmem>>, vector<16xf32>,
    tpu.vector_store %arg11[%swap3A_438], %gather3A_437 {strides = array<i32>} : memref<512xf32, #tpu.memory_space<vmem>>, vector<16xf32>,
    %gather3A_440 = tpu.vector_load_idx %arg8[%get3A_436] : memref<1024xf32, #tpu.memory_space<vmem>>[vector<16xi32>], vector<16xf32>,
    %swap3A_441 = arith.constant 480 : index
    %swap3A_442 = tpu.vector_load %arg12[%swap3A_441] {strides = array<i32>} : memref<512xf32, #tpu.memory_space<vmem>>, vector<16xf32>,
    tpu.vector_store %arg12[%swap3A_441], %gather3A_440 {strides = array<i32>} : memref<512xf32, #tpu.memory_space<vmem>>, vector<16xf32>,
    %get3A_443 = arith.constant 496 : index
    %get3A_444 = tpu.vector_load %arg10[%get3A_443] {strides = array<i32>} : memref<512xi32, #tpu.memory_space<vmem>>, vector<16xi32>,
    %gather3A_445 = tpu.vector_load_idx %arg7[%get3A_444] : memref<1024xf32, #tpu.memory_space<vmem>>[vector<16xi32>], vector<16xf32>,
    %swap3A_446 = arith.constant 496 : index
    %swap3A_447 = tpu.vector_load %arg11[%swap3A_446] {strides = array<i32>} : memref<512xf32, #tpu.memory_space<vmem>>, vector<16xf32>,
    tpu.vector_store %arg11[%swap3A_446], %gather3A_445 {strides = array<i32>} : memref<512xf32, #tpu.memory_space<vmem>>, vector<16xf32>,
    %gather3A_448 = tpu.vector_load_idx %arg8[%get3A_444] : memref<1024xf32, #tpu.memory_space<vmem>>[vector<16xi32>], vector<16xf32>,
    %swap3A_449 = arith.constant 496 : index
    %swap3A_450 = tpu.vector_load %arg12[%swap3A_449] {strides = array<i32>} : memref<512xf32, #tpu.memory_space<vmem>>, vector<16xf32>,
    tpu.vector_store %arg12[%swap3A_449], %gather3A_448 {strides = array<i32>} : memref<512xf32, #tpu.memory_space<vmem>>, vector<16xf32>,
    %dma_start3A_451 = tpu.memref_slice %arg5[%mul3A_2] : memref<16384xf32, #tpu.memory_space<hbm>> -> memref<512xf32, #tpu.memory_space<hbm>>
    %dma_start3A_452 = tpu.memref_slice %arg5[%mul3A_2] : memref<16384xf32, #tpu.memory_space<hbm>> -> memref<512xf32, #tpu.memory_space<hbm>>
    tpu.enqueue_dma source(%arg11 : memref<512xf32, #tpu.memory_space<vmem>>) target(%dma_start3A_452 : memref<512xf32, #tpu.memory_space<hbm>>) target_semaphore(%arg14 : memref<!tpu.dma_semaphore, #tpu.memory_space<semaphore_mem>>)
    %dma_start3A_453 = tpu.memref_slice %arg6[%mul3A_2] : memref<16384xf32, #tpu.memory_space<hbm>> -> memref<512xf32, #tpu.memory_space<hbm>>
    %dma_start3A_454 = tpu.memref_slice %arg6[%mul3A_2] : memref<16384xf32, #tpu.memory_space<hbm>> -> memref<512xf32, #tpu.memory_space<hbm>>
    tpu.enqueue_dma source(%arg12 : memref<512xf32, #tpu.memory_space<vmem>>) target(%dma_start3A_454 : memref<512xf32, #tpu.memory_space<hbm>>) target_semaphore(%arg14 : memref<!tpu.dma_semaphore, #tpu.memory_space<semaphore_mem>>)
    %dma_wait3A_455 = tpu.memref_slice %arg5[%mul3A_2] : memref<16384xf32, #tpu.memory_space<hbm>> -> memref<512xf32, #tpu.memory_space<hbm>>
    %dma_wait3A_456 = tpu.memref_slice %arg5[%mul3A_2] : memref<16384xf32, #tpu.memory_space<hbm>> -> memref<512xf32, #tpu.memory_space<hbm>>
    tpu.wait_dma2 semaphore(%arg14 : memref<!tpu.dma_semaphore, #tpu.memory_space<semaphore_mem>>) src(%arg11 : memref<512xf32, #tpu.memory_space<vmem>>) dst(%dma_wait3A_456 : memref<512xf32, #tpu.memory_space<hbm>>)
    %dma_wait3A_457 = tpu.memref_slice %arg6[%mul3A_2] : memref<16384xf32, #tpu.memory_space<hbm>> -> memref<512xf32, #tpu.memory_space<hbm>>
    %dma_wait3A_458 = tpu.memref_slice %arg6[%mul3A_2] : memref<16384xf32, #tpu.memory_space<hbm>> -> memref<512xf32, #tpu.memory_space<hbm>>
    tpu.wait_dma2 semaphore(%arg14 : memref<!tpu.dma_semaphore, #tpu.memory_space<semaphore_mem>>) src(%arg12 : memref<512xf32, #tpu.memory_space<vmem>>) dst(%dma_wait3A_458 : memref<512xf32, #tpu.memory_space<hbm>>)
    return
  }
}

</mosaic_0001>

<sc_bundles>
// kernel: kernel.3.cloned.1.call-start
scs
__scs_entry_jumppad:
0x0: {  	(pc) =	sbr.rel $0x88, $3  }
0x1: {  	(tag) =	ssettag $0x0;
	lr =	simm.s32 $0x1  }
0x2: {  	[smem:$0x3F9E] =	sst lr;
	_ =	strace $0xD0000000  }
0x3: {  	_ = 	snop  }
0x4: {  	_ = 	snop  }
0x5: {  	_ = 	snop  }
0x6: {  	_ = 	snop  }
0x7: {  	_ = 	snop  }
__scs_overlays_trampoline_lowered:
0x8: {  	[smem:$0x3FAD] =	sst s0  }
0x9: {  	[smem:$0x3FAE] =	sst s1  }
0xa: {  	[smem:$0x3FAF] =	sst s2  }
0xb: {  	[smem:$0x3FB0] =	sst s3  }
0xc: {  	[smem:$0x3FB1] =	sst s4  }
0xd: {  	[smem:$0x3FB2] =	sst s5  }
0xe: {  	[smem:$0x3FB3] =	sst s6  }
0xf: {  	[smem:$0x3FB4] =	sst s7  }
0x10: {  	[smem:$0x3FB5] =	sst s8  }
0x11: {  	[smem:$0x3FB6] =	sst s9;
	s0 =	simm.s32 @!p0 $0x0  }
0x12: {  	s1 =	sld [smem:$0x3F9C];
	s0 =	simm.s32 @p0 $0x1  }
0x13: {  	[smem:$0x3FB7] =	sst s0;
	s0 =	simm.s32 @!p1 $0x0  }
0x14: {  	s2 =	sld [smem:$0x3F9B];
	s0 =	simm.s32 @p1 $0x1  }
0x15: {  	[smem:$0x3FB8] =	sst s0;
	s0 =	simm.s32 @!p2 $0x0  }
0x16: {  	s3 =	sld [smem:$0x3FDB];
	s0 =	simm.s32 @p2 $0x1  }
0x17: {  	s4 =	simm.s32 $0x1BF5;
	[smem:$0x3FBA] =	sst s0  }
0x18: {  	s0 =	sld [smem:$0x3F9D];
	_ =	swait.ge [sflag:s4], $0x0  }
0x19: {  	s7 =	sld [smem:$0x3F9E]  }
0x1a: {  	s8 =	sadd.s32 $0xFFFFE003, lr  }
0x1b: {  	s9 =	sadd.s32 $0xFFFFFEF7, lr;
	s5 =	simm.s32 $0xFFFFFFFF;
	p2 =	slt.u32 s8, $0xFFFFF086  }
0x1c: {  	p1 =	slt.u32 s9, $0xF7A;
	s5 =	simm.s32 @!p2 $0x0  }
0x1d: {  	s5 =	simm.s32 @p1 $0x1;
	p0 =	seq.s32 s7, s2  }
0x1e: {  	s7 =	smul.u32 @!p0 $0xF7A, s2;
	p2 =	seq.s32 @!p0 s5, $0x0  }
0x1f: {  	s9 =	smul.u32 $0xF7A, s1;
	s8 =	simm.s32 @!p0 $0x1BF5;
	p2 =	por !p2, p0  }
0x20: {  	[sflag:s8] =	ssyncset.s32 @!p0 $0xFFFFF086;
	s6 =	sadd.s32 @!p0 s3, s7;
	s7 =	simm.s32 @!p0 $0x108  }
0x21: {  	s3 =	sadd.s32 s3, s9;
	s6 =	sadd.s32 @!p0 $0x88, s6;
	s7 =	simm.s32 @p2 $0x1082  }
0x22: {  	[simem:s7], [sflag:s8] =	dma.local @!p0 [hbm:s6], $0xF7A  }
0x23: {  	s9 =	sor.u32 $0xD0000000, s2;
	s6 =	simm.s32 $0x108;
	_ =	swait.ge @!p0 [sflag:s8], $0x0  }
0x24: {  	s3 =	sadd.s32 $0x88, s3;
	s6 =	simm.s32 @!p1 $0x1082;
	[sflag:s4] =	ssyncset.s32 $0xFFFFF086  }
0x25: {  	[simem:s6], [sflag:s4] =	dma.local [hbm:s3], $0xF7A  }
0x26: {  	[smem:$0x3F9E] =	sst s1;
	(tag) =	ssettag s2;
	_ =	strace s9  }
0x27: {  	s1 =	sld [smem:$0x3FAE]  }
0x28: {  	s2 =	sld [smem:$0x3FAF]  }
0x29: {  	s4 =	sld [smem:$0x3FB1]  }
0x2a: {  	p0 =	seq.s32 s5, $0x0;
	s5 =	sld [smem:$0x3FB2]  }
0x2b: {  	s6 =	sld [smem:$0x3FB3]  }
0x2c: {  	s7 =	sld [smem:$0x3FB4]  }
0x2d: {  	s3 =	simm.s32 $0x108;
	s8 =	sld [smem:$0x3FB5]  }
0x2e: {  	s3 =	simm.s32 @!p0 $0x1082;
	s9 =	sld [smem:$0x3FB6]  }
0x2f: {  	lr =	sadd.s32 s0, s3;
	s0 =	sld [smem:$0x3FAD]  }
0x30: {  	s3 =	sld [smem:$0x3FB0]  }
0x31: {  	[smem:$0x3FB9] =	sst s10  }
0x32: {  	s10 =	sld [smem:$0x3FB7];
	_ =	sdelay $0x3  }
0x33: {  	p0 =	seq.s32 s10, $0x1;
	s10 =	sld [smem:$0x3FB9];
	_ =	sdelay $0x3  }
0x34: {  	[smem:$0x3FB9] =	sst s10  }
0x35: {  	s10 =	sld [smem:$0x3FB8];
	_ =	sdelay $0x3  }
0x36: {  	p1 =	seq.s32 s10, $0x1;
	s10 =	sld [smem:$0x3FB9];
	_ =	sdelay $0x3  }
0x37: {  	[smem:$0x3FB9] =	sst s10  }
0x38: {  	s10 =	sld [smem:$0x3FBA]  }
0x39: {  	_ = 	snop;
	(pc) =	sbr.ind lr, $3  }
0x3a: {  	_ = 	snop  }
0x3b: {  	_ = 	snop  }
0x3c: {  	p2 =	seq.s32 s10, $0x1;
	s10 =	sld [smem:$0x3FB9]  }
0x3d: {  	_ =	shalt  }
0x3e: {  	_ =	shalt  }
0x3f: {  	_ =	shalt  }
0x40: {  	_ =	shalt  }
0x41: {  	_ =	shalt  }
0x42: {  	_ =	shalt  }
0x43: {  	_ =	shalt  }
0x44: {  	_ =	shalt  }
0x45: {  	_ =	shalt  }
0x46: {  	_ =	shalt  }
0x47: {  	_ =	shalt  }
0x48: {  	_ =	shalt  }
0x49: {  	_ =	shalt  }
0x4a: {  	_ =	shalt  }
0x4b: {  	_ =	shalt  }
0x4c: {  	_ =	shalt  }
0x4d: {  	_ =	shalt  }
0x4e: {  	_ =	shalt  }
0x4f: {  	_ =	shalt  }
0x50: {  	_ =	shalt  }
0x51: {  	_ =	shalt  }
0x52: {  	_ =	shalt  }
0x53: {  	_ =	shalt  }
0x54: {  	_ =	shalt  }
0x55: {  	_ =	shalt  }
0x56: {  	_ =	shalt  }
0x57: {  	_ =	shalt  }
0x58: {  	_ =	shalt  }
0x59: {  	_ =	shalt  }
0x5a: {  	_ =	shalt  }
0x5b: {  	_ =	shalt  }
0x5c: {  	_ =	shalt  }
0x5d: {  	_ =	shalt  }
0x5e: {  	_ =	shalt  }
0x5f: {  	_ =	shalt  }
0x60: {  	_ =	shalt  }
0x61: {  	_ =	shalt  }
0x62: {  	_ =	shalt  }
0x63: {  	_ =	shalt  }
0x64: {  	_ =	shalt  }
0x65: {  	_ =	shalt  }
0x66: {  	_ =	shalt  }
0x67: {  	_ =	shalt  }
0x68: {  	_ =	shalt  }
0x69: {  	_ =	shalt  }
0x6a: {  	_ =	shalt  }
0x6b: {  	_ =	shalt  }
0x6c: {  	_ =	shalt  }
0x6d: {  	_ =	shalt  }
0x6e: {  	_ =	shalt  }
0x6f: {  	_ =	shalt  }
0x70: {  	_ =	shalt  }
0x71: {  	_ =	shalt  }
0x72: {  	_ =	shalt  }
0x73: {  	_ =	shalt  }
0x74: {  	_ =	shalt  }
0x75: {  	_ =	shalt  }
0x76: {  	_ =	shalt  }
0x77: {  	_ =	shalt  }
0x78: {  	_ =	shalt  }
0x79: {  	_ =	shalt  }
0x7a: {  	_ =	shalt  }
0x7b: {  	_ =	shalt  }
0x7c: {  	_ =	shalt  }
0x7d: {  	_ =	shalt  }
0x7e: {  	_ =	shalt  }
0x7f: {  	_ =	shalt  }
0x80: {  	_ =	shalt  }
0x81: {  	_ =	shalt  }
0x82: {  	_ =	shalt  }
0x83: {  	_ =	shalt  }
0x84: {  	_ =	shalt  }
0x85: {  	_ =	shalt  }
0x86: {  	_ =	shalt  }
0x87: {  	_ =	shalt  }
.Lfunc_end0:
.L_simem_size_0:
called_computation_lowered:
.L_overlay_start_0:
0x88: {  	s2 =	sld [smem:$0x3FD9]  }
0x89: {  	s3 =	sld [smem:$0x3FFE];
	_ =	sdelay $0x1  }
0x8a: {  	s1 =	srdreg.scid  }
0x8b: {  	s0 =	sand.u32 $0x1, s1  }
0x8c: {  	s14 =	sshll.u32 s0, $0xA;
	s2 =	sadd.s32 s3, s2  }
0x8d: {  	s2 =	sadd.s32 s2, s14  }
0x8e: {  	[smem:$0x3FC5] =	sst s2  }
0x8f: {  	_ = 	snop  }
0x90: {  	s2 =	sld [smem:$0x3FD0];
	_ =	sdelay $0x2  }
0x91: {  	s4 =	simm.s32 $0xA;
	s5 =	simm.s32 $0x10;
	s15 =	sld [smem:$0x3FC9]  }
0x92: {  	[smem:s5], [sflag:s4] =	dma.local [hbm:s2], $0x1  }
0x93: {  	_ =	swait.eq [sflag:s4], $0x1  }
0x94: {  	[sflag:s4] =	ssyncset.done $0x0  }
0x95: {  	s16 =	sld [smem:$0x10];
	[sflag:s4] =	ssyncadd.s32 $0xFFFFFFFF  }
0x96: {  	s17 =	sld [smem:$0x11];
	(tm) =	ssettm $0x1  }
0x97: {  	s18 =	sld [smem:$0x3FFB];
	_ =	sdelay $0x3  }
0x98: {  	_ =	strace s18  }
0x99: {  	s5 =	sld [smem:$0x3FFC];
	_ =	sdelay $0x3  }
0x9a: {  	_ =	strace s5  }
0x9b: {  	s5 =	sld [smem:$0x3FFD];
	_ =	sdelay $0x3  }
0x9c: {  	_ =	strace s5  }
0x9d: {  	_ =	strace $0x8FFFFFFF  }
0x9e: {  	s19 =	sld [smem:$0x3FDB];
	_ =	sdelay $0x1  }
0x9f: {  	s6 =	simm.s32 $_scs_section_size  }
0xa0: {  	s7 =	simm.s32 $_size__tile_overlayer_lowered;
	s8 =	simm.s32 $_tile_overlayer_lowered  }
0xa1: {  	s22 =	simm.s32 $0x1BFF;
	s21 =	sshll.u32 s8, $0x1;
	s5 =	sadd.s32 s6, s19  }
0xa2: {  	s9 =	simm.s32 $0x0;
	s20 =	sshll.u32 s7, $0x1;
	s7 =	sadd.s32 s21, s5  }
0xa3: {  	[timem:s9], [sflag:s22] =	dma.local [hbm:s7], s20  }
0xa4: {  	_ =	swait.ge [sflag:s22], s20  }
0xa5: {  	s6 =	ssub.s32 $0x0, s20;
	[sflag:s22] =	ssyncset.done $0x0  }
0xa6: {  	[sflag:s22] =	ssyncadd.s32 s6;
	_ =	sdelay $0x1  }
0xa7: {  	s23 =	simm.s32 $0x1B8B  }
0xa8: {  	_ =	swait.ge [sflag:s23], $0x1  }
0xa9: {  	[sflag:s23] =	ssyncset.done $0x0  }
0xaa: {  	s25 =	simm.s32 $0x1B8E;
	s24 =	sld [smem:$0x3FFE];
	[sflag:s23] =	ssyncadd.s32 $0xFFFFFFFF  }
0xab: {  	s26 =	simm.s32 $execute0_lowered;
	[smem:$0x3FD2] =	sst s25  }
0xac: {  	s7 =	sshll.u32 s26, $0x1;
	_ =	strace $0x80000046;
	[dreg:$0x1] =	wrdreg $0xFFFFFFFF  }
0xad: {  	s28 =	simm.s32 $_size_execute0_lowered;
	s5 =	sadd.s32 s5, s7;
	[dreg:$0x0] =	wrdreg $0x0  }
0xae: {  	s7 =	sshll.u32 s28, $0x1;
	[dreg:$0x2] =	wrdreg s5  }
0xaf: {  	[dreg:$0x3] =	wrdreg s7  }
0xb0: {  	[dreg:$0x4] =	wrdreg $0xC0  }
0xb1: {  	_ =	task [dreg:s9], $0x5FFFF  }
0xb2: {  	[dreg:$0x1] =	wrdreg $0xFFFFFFFF  }
0xb3: {  	[dreg:$0x0] =	wrdreg $0x60  }
0xb4: {  	[dreg:$0x2] =	wrdreg s24  }
0xb5: {  	[dreg:$0x3] =	wrdreg s15  }
0xb6: {  	[dreg:$0x4] =	wrdreg s16  }
0xb7: {  	[dreg:$0x5] =	wrdreg s17  }
0xb8: {  	[dreg:$0x6] =	wrdreg $0xE800  }
0xb9: {  	[dreg:$0x7] =	wrdreg $0x9  }
0xba: {  	_ =	task.clear_ibuf [dreg:s9], $0x8FFFF;
	_ =	strace $0x90000046  }
0xbb: {  	s29 =	simm.s32 $0x9;
	_ =	strace $0x80000048  }
0xbc: {  	_ =	swait.ge [sflag:s29], $0x1  }
0xbd: {  	[sflag:s29] =	ssyncadd.s32 $0xFFFFFFFF  }
0xbe: {  	_ =	strace $0x90000048  }
0xbf: {  	_ =	sfence  }
0xc0: {  	s30 =	sld [smem:$0x0];
	_ =	sdelay $0x2  }
0xc1: {  	s31 =	sshll.u32 s1, $0xD;
	s1 =	sshrl.u32 s1, $0x2  }
0xc2: {  	s3 =	sand.u32 $0x4000, s31;
	s1 =	sadd.s32 s1, s30  }
0xc3: {  	s0 =	sor.u32 s3, s0;
	s1 =	sshll.u32 s1, $0x11  }
0xc4: {  	s0 =	sor.u32 s1, s0  }
0xc5: {  	s0 =	sadd.s32 $0x8F2B, s0  }
0xc6: {  	[sflag:s0] =	ssyncadd.remote.s32 $0x1  }
0xc7: {  	_ =	sfence.sel $0xFFFF  }
0xc8: {  	[dreg:$0x0] =	wrdreg $0xFFFFFFFF;
	(pc) =	sbr.abs _section_cstart, $3  }
0xc9: {  	[dreg:$0x1] =	wrdreg $0xFFFFFFFF  }
0xca: {  	_ =	task.clear_ibuf [dreg:s9], $0x2FFFF;
	_ =	strace $0x9FFFFFFF  }
0xcb: {  	(tm) =	ssettm $0x7FFFFFFF  }
tec
execute0_lowered:
.L_overlay_start_1:
0x0: {  	(tag) =	ssettag $0x1  }
0x1: {  	s5 =	rddreg [dreg:$0x0]  }
0x2: {  	s6 =	rddreg [dreg:$0x1]  }
0x3: {  	s9 =	rddreg [dreg:$0x2]  }
0x4: {  	s10 =	rddreg [dreg:$0x3]  }
0x5: {  	s1 =	rddreg [dreg:$0x4]  }
0x6: {  	s0 =	rddreg [dreg:$0x5];
	s2 =	simm.s32 $0x0  }
0x7: {  	s7 =	srdreg.scid;
	s3 =	stileid.u32;
	s13 =	simm.s32 $0x400  }
0x8: {  	s14 =	simm.s32 $0x2;
	s15 =	simm.s32 $0x800;
	s16 =	simm.s32 $0x3  }
0x9: {  	s17 =	simm.s32 $0x1;
	s18 =	simm.s32 $0xA80;
	s19 =	simm.s32 $0xC80  }
0xa: {  	[smem:$0x7FF] =	sst s2;
	s4 =	sadd.s32 $0xA00, s5;
	s7 =	sand.u32 $0x1, s7  }
0xb: {  	s11 =	sshll.u32 s3, $0x7;
	s5 =	sadd.s32 $0xC00, s5;
	s8 =	ssub.s32 $0x2, s7  }
0xc: {  	_ =	strace $0x80000047;
	s7 =	sshll.u32 s7, $0x6;
	s12 =	sshrl.u32 s8, $0x1  }
0xd: {  	s11 =	sor.u32 s7, s11;
	s7 =	sshll.u32 s3, $0x6;
	s12 =	ssub.s32 s8, s12  }
0xe: {  	s6 =	sadd.s32 s6, s11;
	s8 =	sadd.s32 s7, s1;
	s9 =	sadd.s32 s9, s11  }
0xf: {  	s10 =	sadd.s32 s10, s11;
	s11 =	smax.u32 s12, $0x1;
	s12 =	simm.s32 $0x880  }
.LBB2_1:
0x10: {  	[tilespmem:s12], [sflag:$0x1] =	stream.linear.gather [hbm4b:s6+s2], $0x200, $0x38;
	[tilespmem:$0xEC0] =	vst v63  }
0x11: {  	_ = 	snop  }
0x12: {  	[tilespmem:s2], [sflag:$0x1] =	stream.linear.gather [hbm4b:s4+s2], $0x400, $0x38;
	[tilespmem:$0xEC0] =	vst v63  }
0x13: {  	_ = 	snop  }
0x14: {  	[tilespmem:s13], [sflag:$0x2] =	stream.linear.gather [hbm4b:s5+s2], $0x400, $0x38;
	[tilespmem:$0xEC0] =	vst v63  }
0x15: {  	_ =	swait.ge [sflag:s14], $0x400  }
0x16: {  	[sflag:s14] =	ssyncset.done $0x0  }
0x17: {  	[sflag:s14] =	ssyncadd.s32 $0xFFFFFC00  }
0x18: {  	v0 =	vld [tilespmem:s7+$0x400];
	_ =	sdelay $0x4  }
0x19: {  	v1 =	vand.u32 $0x7FFFFFFF, v0  }
0x1a: {  	v1 =	vsub.f32 $0.0e+00, v1;
	_ =	sdelay $0x1  }
0x1b: {  	v1 =	vmul.f32 $1.442695020e+00, v1;
	_ =	sdelay $0x1  }
0x1c: {  	(erf) = vpow2.f32 v1;
	_ =	sdelay $0x8  }
0x1d: {  	v1 =	vpop (erf)  }
0x1e: {  	v2 =	vadd.f32 $2.000000000e+00, v1;
	_ =	sdelay $0x1  }
0x1f: {  	(erf) = vrcp.f32 v2;
	_ =	sdelay $0x8  }
0x20: {  	v2 =	vpop (erf)  }
0x21: {  	v1 =	vmul.f32 v2, v1;
	_ =	sdelay $0x1  }
0x22: {  	v2 =	vmul.f32 v1, v1;
	_ =	sdelay $0x1  }
0x23: {  	v3 =	vmul.f32 $9.090909360e-02, v2;
	_ =	sdelay $0x1  }
0x24: {  	v3 =	vadd.f32 $1.111111120e-01, v3;
	_ =	sdelay $0x1  }
0x25: {  	v3 =	vmul.f32 v3, v2;
	_ =	sdelay $0x1  }
0x26: {  	v3 =	vadd.f32 $1.428571490e-01, v3;
	_ =	sdelay $0x1  }
0x27: {  	v3 =	vmul.f32 v3, v2;
	_ =	sdelay $0x1  }
0x28: {  	v3 =	vadd.f32 $2.000000030e-01, v3;
	_ =	sdelay $0x1  }
0x29: {  	v3 =	vmul.f32 v3, v2;
	_ =	sdelay $0x1  }
0x2a: {  	v3 =	vadd.f32 $3.333333430e-01, v3;
	_ =	sdelay $0x1  }
0x2b: {  	v2 =	vmul.f32 v3, v2;
	_ =	sdelay $0x1  }
0x2c: {  	v1 =	vadd.f32 v1, v1;
	v2 =	vadd.f32 $1.000000000e+00, v2;
	_ =	sdelay $0x1  }
0x2d: {  	v1 =	vmul.f32 v2, v1  }
0x2e: {  	v0 =	vmax.f32 v0, $0.0e+00  }
0x2f: {  	v0 =	vadd.f32 v1, v0;
	_ =	sdelay $0x1  }
0x30: {  	v0 =	vmax.f32 v0, $1.000000050e-03  }
0x31: {  	[tilespmem:$0x800] =	vst v0  }
0x32: {  	v0 =	vld [tilespmem:s7+$0x410];
	_ =	sdelay $0x4  }
0x33: {  	v22 =	vand.u32 $0x7FFFFFFF, v0  }
0x34: {  	v1 =	vsub.f32 $0.0e+00, v22;
	_ =	sdelay $0x1  }
0x35: {  	v1 =	vmul.f32 $1.442695020e+00, v1;
	_ =	sdelay $0x1  }
0x36: {  	(erf) = vpow2.f32 v1;
	_ =	sdelay $0x8  }
0x37: {  	v1 =	vpop (erf)  }
0x38: {  	v23 =	vadd.f32 $2.000000000e+00, v1;
	_ =	sdelay $0x1  }
0x39: {  	(erf) = vrcp.f32 v23;
	_ =	sdelay $0x8  }
0x3a: {  	v2 =	vpop (erf)  }
0x3b: {  	v1 =	vmul.f32 v2, v1;
	_ =	sdelay $0x1  }
0x3c: {  	v2 =	vmul.f32 v1, v1;
	_ =	sdelay $0x1  }
0x3d: {  	v24 =	vmul.f32 $9.090909360e-02, v2;
	_ =	sdelay $0x1  }
0x3e: {  	v3 =	vadd.f32 $1.111111120e-01, v24;
	_ =	sdelay $0x1  }
0x3f: {  	v3 =	vmul.f32 v3, v2;
	_ =	sdelay $0x1  }
0x40: {  	v3 =	vadd.f32 $1.428571490e-01, v3;
	_ =	sdelay $0x1  }
0x41: {  	v3 =	vmul.f32 v3, v2;
	_ =	sdelay $0x1  }
0x42: {  	v3 =	vadd.f32 $2.000000030e-01, v3;
	_ =	sdelay $0x1  }
0x43: {  	v3 =	vmul.f32 v3, v2;
	_ =	sdelay $0x1  }
0x44: {  	v3 =	vadd.f32 $3.333333430e-01, v3;
	_ =	sdelay $0x1  }
0x45: {  	v2 =	vmul.f32 v3, v2;
	_ =	sdelay $0x1  }
0x46: {  	v1 =	vadd.f32 v1, v1;
	v2 =	vadd.f32 $1.000000000e+00, v2;
	_ =	sdelay $0x1  }
0x47: {  	v1 =	vmul.f32 v2, v1  }
0x48: {  	v0 =	vmax.f32 v0, $0.0e+00  }
0x49: {  	v0 =	vadd.f32 v1, v0;
	_ =	sdelay $0x1  }
0x4a: {  	v0 =	vmax.f32 v0, $1.000000050e-03  }
0x4b: {  	[tilespmem:$0x810] =	vst v0  }
0x4c: {  	v0 =	vld [tilespmem:s7+$0x420];
	_ =	sdelay $0x4  }
0x4d: {  	v25 =	vand.u32 $0x7FFFFFFF, v0  }
0x4e: {  	v1 =	vsub.f32 $0.0e+00, v25;
	_ =	sdelay $0x1  }
0x4f: {  	v1 =	vmul.f32 $1.442695020e+00, v1;
	_ =	sdelay $0x1  }
0x50: {  	(erf) = vpow2.f32 v1;
	_ =	sdelay $0x8  }
0x51: {  	v1 =	vpop (erf)  }
0x52: {  	v26 =	vadd.f32 $2.000000000e+00, v1;
	_ =	sdelay $0x1  }
0x53: {  	(erf) = vrcp.f32 v26;
	_ =	sdelay $0x8  }
0x54: {  	v2 =	vpop (erf)  }
0x55: {  	v1 =	vmul.f32 v2, v1;
	_ =	sdelay $0x1  }
0x56: {  	v2 =	vmul.f32 v1, v1;
	_ =	sdelay $0x1  }
0x57: {  	v27 =	vmul.f32 $9.090909360e-02, v2;
	_ =	sdelay $0x1  }
0x58: {  	v3 =	vadd.f32 $1.111111120e-01, v27;
	_ =	sdelay $0x1  }
0x59: {  	v3 =	vmul.f32 v3, v2;
	_ =	sdelay $0x1  }
0x5a: {  	v3 =	vadd.f32 $1.428571490e-01, v3;
	_ =	sdelay $0x1  }
0x5b: {  	v3 =	vmul.f32 v3, v2;
	_ =	sdelay $0x1  }
0x5c: {  	v3 =	vadd.f32 $2.000000030e-01, v3;
	_ =	sdelay $0x1  }
0x5d: {  	v3 =	vmul.f32 v3, v2;
	_ =	sdelay $0x1  }
0x5e: {  	v3 =	vadd.f32 $3.333333430e-01, v3;
	_ =	sdelay $0x1  }
0x5f: {  	v2 =	vmul.f32 v3, v2;
	_ =	sdelay $0x1  }
0x60: {  	v1 =	vadd.f32 v1, v1;
	v2 =	vadd.f32 $1.000000000e+00, v2;
	_ =	sdelay $0x1  }
0x61: {  	v1 =	vmul.f32 v2, v1  }
0x62: {  	v0 =	vmax.f32 v0, $0.0e+00  }
0x63: {  	v0 =	vadd.f32 v1, v0;
	_ =	sdelay $0x1  }
0x64: {  	v0 =	vmax.f32 v0, $1.000000050e-03  }
0x65: {  	[tilespmem:$0x820] =	vst v0  }
0x66: {  	v0 =	vld [tilespmem:s7+$0x430];
	_ =	sdelay $0x4  }
0x67: {  	v28 =	vand.u32 $0x7FFFFFFF, v0  }
0x68: {  	v1 =	vsub.f32 $0.0e+00, v28;
	_ =	sdelay $0x1  }
0x69: {  	v1 =	vmul.f32 $1.442695020e+00, v1;
	_ =	sdelay $0x1  }
0x6a: {  	(erf) = vpow2.f32 v1;
	_ =	sdelay $0x8  }
0x6b: {  	v1 =	vpop (erf)  }
0x6c: {  	v29 =	vadd.f32 $2.000000000e+00, v1;
	_ =	sdelay $0x1  }
0x6d: {  	(erf) = vrcp.f32 v29;
	_ =	sdelay $0x8  }
0x6e: {  	v2 =	vpop (erf)  }
0x6f: {  	v1 =	vmul.f32 v2, v1;
	_ =	sdelay $0x1  }
0x70: {  	v2 =	vmul.f32 v1, v1;
	_ =	sdelay $0x1  }
0x71: {  	v30 =	vmul.f32 $9.090909360e-02, v2;
	_ =	sdelay $0x1  }
0x72: {  	v3 =	vadd.f32 $1.111111120e-01, v30;
	_ =	sdelay $0x1  }
0x73: {  	v3 =	vmul.f32 v3, v2;
	_ =	sdelay $0x1  }
0x74: {  	v3 =	vadd.f32 $1.428571490e-01, v3;
	_ =	sdelay $0x1  }
0x75: {  	v3 =	vmul.f32 v3, v2;
	_ =	sdelay $0x1  }
0x76: {  	v3 =	vadd.f32 $2.000000030e-01, v3;
	_ =	sdelay $0x1  }
0x77: {  	v3 =	vmul.f32 v3, v2;
	_ =	sdelay $0x1  }
0x78: {  	v3 =	vadd.f32 $3.333333430e-01, v3;
	_ =	sdelay $0x1  }
0x79: {  	v2 =	vmul.f32 v3, v2;
	_ =	sdelay $0x1  }
0x7a: {  	v1 =	vadd.f32 v1, v1;
	v2 =	vadd.f32 $1.000000000e+00, v2;
	_ =	sdelay $0x1  }
0x7b: {  	v1 =	vmul.f32 v2, v1  }
0x7c: {  	v0 =	vmax.f32 v0, $0.0e+00  }
0x7d: {  	v0 =	vadd.f32 v1, v0;
	_ =	sdelay $0x1  }
0x7e: {  	v0 =	vmax.f32 v0, $1.000000050e-03  }
0x7f: {  	[tilespmem:$0x830] =	vst v0  }
0x80: {  	[spmem:s8] =	stream.linear.scatter [tilespmem:s15], [sflag:$0x3], $0x40, $0x38;
	[tilespmem:$0xEC0] =	vst v63  }
0x81: {  	_ =	swait.ge [sflag:s16], $0x40  }
0x82: {  	[sflag:s16] =	ssyncset.done $0x0  }
0x83: {  	[sflag:s16] =	ssyncadd.s32 $0xFFFFFFC0  }
0x84: {  	[bflag:$0x0] =	sbarrier.arrive $0xFFFF  }
0x85: {  	[tilespmem:s13], [sflag:$0x1] =	stream.linear.gather [spmem:s1], $0x400, $0x38;
	[tilespmem:$0xEC0] =	vst v63  }
0x86: {  	_ =	swait.ge [sflag:s17], $0x200  }
0x87: {  	[sflag:s17] =	ssyncset.done $0x0  }
0x88: {  	[sflag:s17] =	ssyncadd.s32 $0xFFFFFE00  }
0x89: {  	_ =	swait.ge [sflag:s17], $0x400  }
0x8a: {  	[sflag:s17] =	ssyncset.done $0x0  }
0x8b: {  	[sflag:s17] =	ssyncadd.s32 $0xFFFFFC00  }
0x8c: {  	_ =	swait.ge [sflag:s17], $0x400  }
0x8d: {  	[sflag:s17] =	ssyncset.done $0x0  }
0x8e: {  	[sflag:s17] =	ssyncadd.s32 $0xFFFFFC00  }
0x8f: {  	v31 =	vld [tilespmem:$0x880];
	_ =	sdelay $0x7  }
0x90: {  	v32 =	vld.idx.msk [tilespmem:v31+s2+$0x0], $0xffff;
	_ =	sdelay $0x3  }
0x91: {  	v33 =	vld [tilespmem:$0x890]  }
0x92: {  	[tilespmem:$0xA80] =	vst v32  }
0x93: {  	v0 =	vld.idx.msk [tilespmem:v31+s13+$0x0], $0xffff;
	_ =	sdelay $0x4  }
0x94: {  	[tilespmem:$0xC80] =	vst v0  }
0x95: {  	v0 =	vld.idx.msk [tilespmem:v33+s2+$0x0], $0xffff;
	_ =	sdelay $0x3  }
0x96: {  	v34 =	vld [tilespmem:$0x8A0]  }
0x97: {  	[tilespmem:$0xA90] =	vst v0  }
0x98: {  	v0 =	vld.idx.msk [tilespmem:v33+s13+$0x0], $0xffff;
	_ =	sdelay $0x4  }
0x99: {  	[tilespmem:$0xC90] =	vst v0  }
0x9a: {  	v0 =	vld.idx.msk [tilespmem:v34+s2+$0x0], $0xffff;
	_ =	sdelay $0x3  }
0x9b: {  	v35 =	vld [tilespmem:$0x8B0]  }
0x9c: {  	[tilespmem:$0xAA0] =	vst v0  }
0x9d: {  	v0 =	vld.idx.msk [tilespmem:v34+s13+$0x0], $0xffff;
	_ =	sdelay $0x4  }
0x9e: {  	[tilespmem:$0xCA0] =	vst v0  }
0x9f: {  	v0 =	vld.idx.msk [tilespmem:v35+s2+$0x0], $0xffff;
	_ =	sdelay $0x3  }
0xa0: {  	v36 =	vld [tilespmem:$0x8C0]  }
0xa1: {  	[tilespmem:$0xAB0] =	vst v0  }
0xa2: {  	v0 =	vld.idx.msk [tilespmem:v35+s13+$0x0], $0xffff;
	_ =	sdelay $0x4  }
0xa3: {  	[tilespmem:$0xCB0] =	vst v0  }
0xa4: {  	v0 =	vld.idx.msk [tilespmem:v36+s2+$0x0], $0xffff;
	_ =	sdelay $0x3  }
0xa5: {  	v37 =	vld [tilespmem:$0x8D0]  }
0xa6: {  	[tilespmem:$0xAC0] =	vst v0  }
0xa7: {  	v0 =	vld.idx.msk [tilespmem:v36+s13+$0x0], $0xffff;
	_ =	sdelay $0x4  }
0xa8: {  	[tilespmem:$0xCC0] =	vst v0  }
0xa9: {  	v0 =	vld.idx.msk [tilespmem:v37+s2+$0x0], $0xffff;
	_ =	sdelay $0x3  }
0xaa: {  	v38 =	vld [tilespmem:$0x8E0]  }
0xab: {  	[tilespmem:$0xAD0] =	vst v0  }
0xac: {  	v0 =	vld.idx.msk [tilespmem:v37+s13+$0x0], $0xffff;
	_ =	sdelay $0x4  }
0xad: {  	[tilespmem:$0xCD0] =	vst v0  }
0xae: {  	v0 =	vld.idx.msk [tilespmem:v38+s2+$0x0], $0xffff;
	_ =	sdelay $0x3  }
0xaf: {  	v39 =	vld [tilespmem:$0x8F0]  }
0xb0: {  	[tilespmem:$0xAE0] =	vst v0  }
0xb1: {  	v0 =	vld.idx.msk [tilespmem:v38+s13+$0x0], $0xffff;
	_ =	sdelay $0x4  }
0xb2: {  	[tilespmem:$0xCE0] =	vst v0  }
0xb3: {  	v0 =	vld.idx.msk [tilespmem:v39+s2+$0x0], $0xffff;
	_ =	sdelay $0x3  }
0xb4: {  	v40 =	vld [tilespmem:$0x900]  }
0xb5: {  	[tilespmem:$0xAF0] =	vst v0  }
0xb6: {  	v0 =	vld.idx.msk [tilespmem:v39+s13+$0x0], $0xffff;
	_ =	sdelay $0x4  }
0xb7: {  	[tilespmem:$0xCF0] =	vst v0  }
0xb8: {  	v0 =	vld.idx.msk [tilespmem:v40+s2+$0x0], $0xffff;
	_ =	sdelay $0x3  }
0xb9: {  	v41 =	vld [tilespmem:$0x910]  }
0xba: {  	[tilespmem:$0xB00] =	vst v0  }
0xbb: {  	v0 =	vld.idx.msk [tilespmem:v40+s13+$0x0], $0xffff;
	_ =	sdelay $0x4  }
0xbc: {  	[tilespmem:$0xD00] =	vst v0  }
0xbd: {  	v0 =	vld.idx.msk [tilespmem:v41+s2+$0x0], $0xffff;
	_ =	sdelay $0x3  }
0xbe: {  	v42 =	vld [tilespmem:$0x920]  }
0xbf: {  	[tilespmem:$0xB10] =	vst v0  }
0xc0: {  	v0 =	vld.idx.msk [tilespmem:v41+s13+$0x0], $0xffff;
	_ =	sdelay $0x4  }
0xc1: {  	[tilespmem:$0xD10] =	vst v0  }
0xc2: {  	v0 =	vld.idx.msk [tilespmem:v42+s2+$0x0], $0xffff;
	_ =	sdelay $0x3  }
0xc3: {  	v43 =	vld [tilespmem:$0x930]  }
0xc4: {  	[tilespmem:$0xB20] =	vst v0  }
0xc5: {  	v0 =	vld.idx.msk [tilespmem:v42+s13+$0x0], $0xffff;
	_ =	sdelay $0x4  }
0xc6: {  	[tilespmem:$0xD20] =	vst v0  }
0xc7: {  	v0 =	vld.idx.msk [tilespmem:v43+s2+$0x0], $0xffff;
	_ =	sdelay $0x3  }
0xc8: {  	v44 =	vld [tilespmem:$0x940]  }
0xc9: {  	[tilespmem:$0xB30] =	vst v0  }
0xca: {  	v0 =	vld.idx.msk [tilespmem:v43+s13+$0x0], $0xffff;
	_ =	sdelay $0x4  }
0xcb: {  	[tilespmem:$0xD30] =	vst v0  }
0xcc: {  	v0 =	vld.idx.msk [tilespmem:v44+s2+$0x0], $0xffff;
	_ =	sdelay $0x3  }
0xcd: {  	v45 =	vld [tilespmem:$0x950]  }
0xce: {  	[tilespmem:$0xB40] =	vst v0  }
0xcf: {  	v0 =	vld.idx.msk [tilespmem:v44+s13+$0x0], $0xffff;
	_ =	sdelay $0x4  }
0xd0: {  	[tilespmem:$0xD40] =	vst v0  }
0xd1: {  	v0 =	vld.idx.msk [tilespmem:v45+s2+$0x0], $0xffff;
	_ =	sdelay $0x3  }
0xd2: {  	v46 =	vld [tilespmem:$0x960]  }
0xd3: {  	[tilespmem:$0xB50] =	vst v0  }
0xd4: {  	v0 =	vld.idx.msk [tilespmem:v45+s13+$0x0], $0xffff;
	_ =	sdelay $0x4  }
0xd5: {  	[tilespmem:$0xD50] =	vst v0  }
0xd6: {  	v0 =	vld.idx.msk [tilespmem:v46+s2+$0x0], $0xffff;
	_ =	sdelay $0x3  }
0xd7: {  	v47 =	vld [tilespmem:$0x970]  }
0xd8: {  	[tilespmem:$0xB60] =	vst v0  }
0xd9: {  	v0 =	vld.idx.msk [tilespmem:v46+s13+$0x0], $0xffff;
	_ =	sdelay $0x4  }
0xda: {  	[tilespmem:$0xD60] =	vst v0  }
0xdb: {  	v0 =	vld.idx.msk [tilespmem:v47+s2+$0x0], $0xffff;
	_ =	sdelay $0x3  }
0xdc: {  	v48 =	vld [tilespmem:$0x980]  }
0xdd: {  	[tilespmem:$0xB70] =	vst v0  }
0xde: {  	v0 =	vld.idx.msk [tilespmem:v47+s13+$0x0], $0xffff;
	_ =	sdelay $0x4  }
0xdf: {  	[tilespmem:$0xD70] =	vst v0  }
0xe0: {  	v0 =	vld.idx.msk [tilespmem:v48+s2+$0x0], $0xffff;
	_ =	sdelay $0x3  }
0xe1: {  	v49 =	vld [tilespmem:$0x990]  }
0xe2: {  	[tilespmem:$0xB80] =	vst v0  }
0xe3: {  	v0 =	vld.idx.msk [tilespmem:v48+s13+$0x0], $0xffff;
	_ =	sdelay $0x4  }
0xe4: {  	[tilespmem:$0xD80] =	vst v0  }
0xe5: {  	v0 =	vld.idx.msk [tilespmem:v49+s2+$0x0], $0xffff;
	_ =	sdelay $0x3  }
0xe6: {  	v50 =	vld [tilespmem:$0x9A0]  }
0xe7: {  	[tilespmem:$0xB90] =	vst v0  }
0xe8: {  	v0 =	vld.idx.msk [tilespmem:v49+s13+$0x0], $0xffff;
	_ =	sdelay $0x4  }
0xe9: {  	[tilespmem:$0xD90] =	vst v0  }
0xea: {  	v0 =	vld.idx.msk [tilespmem:v50+s2+$0x0], $0xffff;
	_ =	sdelay $0x3  }
0xeb: {  	v51 =	vld [tilespmem:$0x9B0]  }
0xec: {  	[tilespmem:$0xBA0] =	vst v0  }
0xed: {  	v0 =	vld.idx.msk [tilespmem:v50+s13+$0x0], $0xffff;
	_ =	sdelay $0x4  }
0xee: {  	[tilespmem:$0xDA0] =	vst v0  }
0xef: {  	v0 =	vld.idx.msk [tilespmem:v51+s2+$0x0], $0xffff;
	_ =	sdelay $0x3  }
0xf0: {  	v52 =	vld [tilespmem:$0x9C0]  }
0xf1: {  	[tilespmem:$0xBB0] =	vst v0  }
0xf2: {  	v0 =	vld.idx.msk [tilespmem:v51+s13+$0x0], $0xffff;
	_ =	sdelay $0x4  }
0xf3: {  	[tilespmem:$0xDB0] =	vst v0  }
0xf4: {  	v0 =	vld.idx.msk [tilespmem:v52+s2+$0x0], $0xffff;
	_ =	sdelay $0x3  }
0xf5: {  	v53 =	vld [tilespmem:$0x9D0]  }
0xf6: {  	[tilespmem:$0xBC0] =	vst v0  }
0xf7: {  	v0 =	vld.idx.msk [tilespmem:v52+s13+$0x0], $0xffff;
	_ =	sdelay $0x4  }
0xf8: {  	[tilespmem:$0xDC0] =	vst v0  }
0xf9: {  	v0 =	vld.idx.msk [tilespmem:v53+s2+$0x0], $0xffff;
	_ =	sdelay $0x3  }
0xfa: {  	v54 =	vld [tilespmem:$0x9E0]  }
0xfb: {  	[tilespmem:$0xBD0] =	vst v0  }
0xfc: {  	v0 =	vld.idx.msk [tilespmem:v53+s13+$0x0], $0xffff;
	_ =	sdelay $0x4  }
0xfd: {  	[tilespmem:$0xDD0] =	vst v0  }
0xfe: {  	v0 =	vld.idx.msk [tilespmem:v54+s2+$0x0], $0xffff;
	_ =	sdelay $0x3  }
0xff: {  	v55 =	vld [tilespmem:$0x9F0]  }
0x100: {  	[tilespmem:$0xBE0] =	vst v0  }
0x101: {  	v0 =	vld.idx.msk [tilespmem:v54+s13+$0x0], $0xffff;
	_ =	sdelay $0x4  }
0x102: {  	[tilespmem:$0xDE0] =	vst v0  }
0x103: {  	v0 =	vld.idx.msk [tilespmem:v55+s2+$0x0], $0xffff;
	_ =	sdelay $0x3  }
0x104: {  	v56 =	vld [tilespmem:$0xA00]  }
0x105: {  	[tilespmem:$0xBF0] =	vst v0  }
0x106: {  	v0 =	vld.idx.msk [tilespmem:v55+s13+$0x0], $0xffff;
	_ =	sdelay $0x4  }
0x107: {  	[tilespmem:$0xDF0] =	vst v0  }
0x108: {  	v0 =	vld.idx.msk [tilespmem:v56+s2+$0x0], $0xffff;
	_ =	sdelay $0x3  }
0x109: {  	v57 =	vld [tilespmem:$0xA10]  }
0x10a: {  	[tilespmem:$0xC00] =	vst v0  }
0x10b: {  	v0 =	vld.idx.msk [tilespmem:v56+s13+$0x0], $0xffff;
	_ =	sdelay $0x4  }
0x10c: {  	[tilespmem:$0xE00] =	vst v0  }
0x10d: {  	v0 =	vld.idx.msk [tilespmem:v57+s2+$0x0], $0xffff;
	_ =	sdelay $0x3  }
0x10e: {  	v58 =	vld [tilespmem:$0xA20]  }
0x10f: {  	[tilespmem:$0xC10] =	vst v0  }
0x110: {  	v0 =	vld.idx.msk [tilespmem:v57+s13+$0x0], $0xffff;
	_ =	sdelay $0x4  }
0x111: {  	[tilespmem:$0xE10] =	vst v0  }
0x112: {  	v0 =	vld.idx.msk [tilespmem:v58+s2+$0x0], $0xffff;
	_ =	sdelay $0x3  }
0x113: {  	v59 =	vld [tilespmem:$0xA30]  }
0x114: {  	[tilespmem:$0xC20] =	vst v0  }
0x115: {  	v0 =	vld.idx.msk [tilespmem:v58+s13+$0x0], $0xffff;
	_ =	sdelay $0x4  }
0x116: {  	[tilespmem:$0xE20] =	vst v0  }
0x117: {  	v0 =	vld.idx.msk [tilespmem:v59+s2+$0x0], $0xffff;
	_ =	sdelay $0x3  }
0x118: {  	v60 =	vld [tilespmem:$0xA40]  }
0x119: {  	[tilespmem:$0xC30] =	vst v0  }
0x11a: {  	v0 =	vld.idx.msk [tilespmem:v59+s13+$0x0], $0xffff;
	_ =	sdelay $0x4  }
0x11b: {  	[tilespmem:$0xE30] =	vst v0  }
0x11c: {  	v0 =	vld.idx.msk [tilespmem:v60+s2+$0x0], $0xffff;
	_ =	sdelay $0x3  }
0x11d: {  	v61 =	vld [tilespmem:$0xA50]  }
0x11e: {  	[tilespmem:$0xC40] =	vst v0  }
0x11f: {  	v0 =	vld.idx.msk [tilespmem:v60+s13+$0x0], $0xffff;
	_ =	sdelay $0x4  }
0x120: {  	[tilespmem:$0xE40] =	vst v0  }
0x121: {  	v0 =	vld.idx.msk [tilespmem:v61+s2+$0x0], $0xffff;
	_ =	sdelay $0x3  }
0x122: {  	v62 =	vld [tilespmem:$0xA60]  }
0x123: {  	[tilespmem:$0xC50] =	vst v0  }
0x124: {  	v0 =	vld.idx.msk [tilespmem:v61+s13+$0x0], $0xffff;
	_ =	sdelay $0x4  }
0x125: {  	[tilespmem:$0xE50] =	vst v0  }
0x126: {  	v0 =	vld.idx.msk [tilespmem:v62+s2+$0x0], $0xffff;
	_ =	sdelay $0x3  }
0x127: {  	v63 =	vld [tilespmem:$0xA70]  }
0x128: {  	[tilespmem:$0xC60] =	vst v0  }
0x129: {  	v0 =	vld.idx.msk [tilespmem:v62+s13+$0x0], $0xffff;
	_ =	sdelay $0x4  }
0x12a: {  	[tilespmem:$0xE60] =	vst v0  }
0x12b: {  	v0 =	vld.idx.msk [tilespmem:v63+s2+$0x0], $0xffff;
	_ =	sdelay $0x4  }
0x12c: {  	[tilespmem:$0xC70] =	vst v0  }
0x12d: {  	v0 =	vld.idx.msk [tilespmem:v63+s13+$0x0], $0xffff;
	_ =	sdelay $0x4  }
0x12e: {  	[tilespmem:$0xE70] =	vst v0  }
0x12f: {  	[hbm4b:s9+s2] =	stream.linear.scatter [tilespmem:s18], [sflag:$0x1], $0x200, $0x38;
	[tilespmem:$0xEC0] =	vst v63  }
0x130: {  	_ = 	snop  }
0x131: {  	[hbm4b:s10+s2] =	stream.linear.scatter [tilespmem:s19], [sflag:$0x1], $0x200, $0x38;
	[tilespmem:$0xEC0] =	vst v63  }
0x132: {  	p0 =	sne.s32 s11, $0x1;
	_ =	swait.ge [sflag:s17], $0x200  }
.Ltmp0:
0x133: {  	[sflag:s17] =	ssyncset.done $0x0;
	(pc) =	sbr.rel @p0 .LBB2_1-.Ltmp0, $4  }
0x134: {  	[sflag:s17] =	ssyncadd.s32 $0xFFFFFE00  }
0x135: {  	_ =	swait.ge [sflag:s17], $0x200  }
0x136: {  	[sflag:s17] =	ssyncset.done $0x0  }
0x137: {  	s11 =	sadd.s32 $0xFFFFFFFF, s11;
	[sflag:s17] =	ssyncadd.s32 $0xFFFFFE00  }
0x138: {  	_ =	sfence.sel $0x180000  }
0x139: {  	[bflag:$0x0] =	sbarrier.arrive $0xFFFF  }
0x13a: {  	p0 =	sne.s32 s3, $0x0;
	_ =	strace $0x90000047  }
0x13b: {  	s0 =	sadd.s32 @!p0 $0x100000, s0;
	[bflag:$0x2] =	sbarrier.arrive $0xFFFF  }
0x13c: {  	[sflag:s0] =	ssyncadd.tile.s32 @!p0 $0x1;
	_ =	shalt  }
.Lfunc_end2:
_tile_overlayer_lowered:
.L_overlay_start_2:
0x13d: {  	(tag) =	ssettag $0x2  }
0x13e: {  	s0 =	rddreg [dreg:$0x0];
	s2 =	stileid.u32  }
0x13f: {  	s1 =	rddreg [dreg:$0x1];
	p0 =	sne.s32 s2, $0x0  }
0x140: {  	s3 =	rddreg [dreg:$0x2];
	[bflag:$0x3] =	sbarrier.arrive $0xFFFF;
	s2 =	simm.s32 @!p0 $0x1C03  }
0x141: {  	[timem:s3], [sflag:s2] =	dma.local @!p0 [hbm:s0], s1  }
0x142: {  	s0 =	simm.s32 @!p0 $0x3  }
0x143: {  	_ =	swait.ge @!p0 [sflag:s0], s1  }
0x144: {  	s1 =	ssub.s32 @!p0 $0x0, s1;
	[sflag:s0] =	ssyncset.done @!p0 $0x0  }
0x145: {  	[sflag:s0] =	ssyncadd.s32 @!p0 s1  }
0x146: {  	[bflag:$0x3] =	sbarrier.arrive $0xFFFF  }
0x147: {  	_ =	shalt  }

</sc_bundles>
